<compile_context>
chip_gen: v7x
topology: tpu7x:2x2x1
jax: 0.10.2.dev20260603
libtpu: 0.0.44.dev20260713+nightly
codegen_flags: <defaults>
</compile_context>

<pallas_src>
import functools

import numpy as np
import jax
import jax.numpy as jnp
from jax import lax
from jax.experimental import pallas as pl
from jax.experimental.pallas import tpu as pltpu
from jax.experimental.pallas import tpu_sc as plsc

_P = 8
_V = 1000
_D = 128
_B = 1024
_L = 50
_T = _B * _L
_EPS = 0.01


def _threefry2x32_np(k1, k2, x0, x1):

    def rotl(x, d):
        return ((x << np.uint32(d)) | (x >> np.uint32(32 - d))).astype(np.uint32)

    def rnds(x0, x1, rots):
        for r in rots:
            x0 = (x0 + x1).astype(np.uint32)
            x1 = rotl(x1, r)
            x1 = x1 ^ x0
        return x0, x1

    r0, r1 = (13, 15, 26, 6), (17, 29, 16, 24)
    ks0, ks1 = np.uint32(k1), np.uint32(k2)
    ks2 = np.uint32(ks0 ^ ks1 ^ np.uint32(0x1BD11BDA))
    x0 = (x0 + ks0).astype(np.uint32)
    x1 = (x1 + ks1).astype(np.uint32)
    for i, (ka, kb, rr) in enumerate(
        [(ks1, ks2, r0), (ks2, ks0, r1), (ks0, ks1, r0), (ks1, ks2, r1), (ks2, ks0, r0)]
    ):
        x0, x1 = rnds(x0, x1, rr)
        x0 = (x0 + ka).astype(np.uint32)
        x1 = (x1 + kb + np.uint32(i + 1)).astype(np.uint32)
    return x0, x1


def _emu_np():
    b1, b2 = _threefry2x32_np(
        np.uint32(0), np.uint32(42),
        np.array([0, 0], np.uint32), np.array([0, 1], np.uint32),
    )
    n = _P * _V * _D
    i = np.arange(n, dtype=np.uint64)
    hi = (i >> np.uint64(32)).astype(np.uint32)
    lo = (i & np.uint64(0xFFFFFFFF)).astype(np.uint32)
    bb1, bb2 = _threefry2x32_np(b1[1], b2[1], hi, lo)
    mu = ((bb1 ^ bb2) & np.uint32(1)).astype(np.float32) * 2.0 - 1.0
    return (np.float32(_EPS) * mu).reshape(_P * _V, _D)


_EMU = _emu_np()

def _prep_body(w_ref, emu_ref, tbl_ref):
    w = w_ref[...]
    for p in range(_P):
        sl = pl.ds(p * _V, _V)
        tbl_ref[sl, :] = w + emu_ref[sl, :]


def _prep(weight, emu):
    return pl.pallas_call(
        _prep_body,
        out_shape=jax.ShapeDtypeStruct((_P * _V, _D), jnp.float32),
    )(weight, emu)


_info = plsc.get_sparse_core_info()
_NC = _info.num_cores
_NS = _info.num_subcores
_NW = _NC * _NS
_QP = _NW // _P
_RPT = (_P * _T) // _NW
_C = 64
_NCH = _RPT // _C
_NBUF = 4

_mesh = plsc.VectorSubcoreMesh(core_axis_name="c", subcore_axis_name="s")


@functools.partial(
    pl.kernel,
    mesh=_mesh,
    out_type=jax.ShapeDtypeStruct((_P * _T, _D), jnp.float32),
    scratch_types=[
        pltpu.VMEM((_RPT,), jnp.int32),
        pltpu.VMEM((_NBUF, _C, _D), jnp.float32),
        pltpu.VMEM_SHARED((_P * _V, _D), jnp.float32),
        pltpu.SemaphoreType.DMA((_NBUF,)),
        pltpu.SemaphoreType.DMA((_NBUF,)),
        pltpu.SemaphoreType.DMA,
    ],
)
def _gather(tbl_hbm, ids_hbm, out_hbm, ids_v, rows_v, tbl_sh, gsem, wsem, ssem):
    sub = lax.axis_index("s")
    wid = sub * _NC + lax.axis_index("c")
    rbase = wid * _RPT

    @pl.when(sub < _P)
    def _stage():
        v0 = sub * _V
        pltpu.async_copy(tbl_hbm.at[pl.ds(v0, _V)], tbl_sh.at[pl.ds(v0, _V)], ssem)

    pltpu.sync_copy(ids_hbm.at[pl.ds((wid % _QP) * _RPT, _RPT)], ids_v)
    poff = (wid // _QP) * _V

    def addoff(i, carry):
        for jj in range(4):
            sl = pl.ds(i * 64 + jj * 16, 16)
            ids_v[sl] = ids_v[sl] + poff
        return carry

    lax.fori_loop(0, _RPT // 64, addoff, 0)

    @pl.when(sub < _P)
    def _stage_wait():
        v0 = sub * _V
        pltpu.make_async_copy(
            tbl_hbm.at[pl.ds(v0, _V)], tbl_sh.at[pl.ds(v0, _V)], ssem
        ).wait()

    plsc.subcore_barrier()

    def start_gather(c, b):
        return pltpu.async_copy(
            tbl_sh.at[ids_v.at[pl.ds(c * _C, _C)]], rows_v.at[b], gsem.at[b]
        )

    def wait_gather(c, b):
        pltpu.make_async_copy(
            tbl_sh.at[ids_v.at[pl.ds(c * _C, _C)]], rows_v.at[b], gsem.at[b]
        ).wait()

    def start_write(c, b):
        return pltpu.async_copy(
            rows_v.at[b], out_hbm.at[pl.ds(rbase + c * _C, _C)], wsem.at[b]
        )

    def wait_write(c, b):
        pltpu.make_async_copy(
            rows_v.at[b], out_hbm.at[pl.ds(rbase + c * _C, _C)], wsem.at[b]
        ).wait()

    for b in range(_NBUF):
        start_gather(b, b)
    for c in range(_NBUF - 1):
        wait_gather(c, c)
        start_write(c, c)

    def body(i, carry):
        g = i * _NBUF
        for b in range(_NBUF):
            c = g + b
            wait_write(c - _NBUF, b)
            start_gather(c, b)
            b2 = (b - 1) % _NBUF
            wait_gather(c - 1, b2)
            start_write(c - 1, b2)
        return carry

    lax.fori_loop(1, _NCH // _NBUF, body, 0)

    cB = _NCH - 1
    wait_gather(cB, cB % _NBUF)
    start_write(cB, cB % _NBUF)
    for c in range(_NCH - _NBUF, _NCH):
        wait_write(c, c % _NBUF)


def kernel(input_ids, weight):
    ids_t = input_ids.astype(jnp.int32).T.reshape(_T)
    table = _prep(weight, jnp.asarray(_EMU))
    out = _gather(table, ids_t)
    return out.reshape(_P, _L, _B, _D).transpose(0, 2, 1, 3)

# --- scband reference (transcript-rebuilt; emitter-appended) ---
"""Pipeline reference for scband-parallel-embedding-11295763988601 (READ-ONLY COPY).

The authoritative reference and input builder live on the scoring server;
editing this copy changes nothing except your own understanding.
"""

import jax, jax.numpy as jnp
import numpy as np

NUM_EMBEDDINGS = 1000
EMBEDDING_DIM = 128
NUM_PARALLEL = 8
EPSILON = 0.01
BATCH = 1024
SEQ = 50


def setup_inputs(seed: int = 0) -> dict:
    key = jax.random.key(seed)
    k1, k2 = jax.random.split(key)
    input_ids = jax.random.randint(k1, (BATCH, SEQ), 0, NUM_EMBEDDINGS)
    weight = jax.random.normal(k2, (NUM_EMBEDDINGS, EMBEDDING_DIM), dtype=jnp.float32)
    return {"input_ids": input_ids, "weight": weight}


def reference(input_ids, weight):
    # freeze=False path: perturb the embedding table with num_parallel random +/-1 masks,
    # then do one embedding lookup per perturbed copy and stack along dim 0.
    mu_key = jax.random.key(42)
    mu = jax.random.randint(mu_key, (NUM_PARALLEL, NUM_EMBEDDINGS, EMBEDDING_DIM), 0, 2).astype(jnp.float32) * 2.0 - 1.0
    weight_perturbed = weight[None, :, :] + EPSILON * mu  # [P, V, D]
    # gather: equivalent to stacking F.embedding(input_ids, weight_perturbed[i]) over i
    out = jnp.take(weight_perturbed, input_ids, axis=1)  # [P, B, L, D]
    return out

if __name__ == "__main__":
    import jax
    _d = setup_inputs()
    print(jax.jit(kernel)(*tuple(_d.values())))

</pallas_src>

<mosaic_0001>
#map = affine_map<(d0, d1) -> (0, 0)>
#map1 = affine_map<(d0, d1) -> (0)>
module attributes {stable_mosaic.version = 14 : i64} {
  func.func @_gather(%arg0: i32, %arg1: i32, %arg2: memref<8000x128xf32, #tpu.memory_space<hbm>>, %arg3: memref<51200xi32, #tpu.memory_space<hbm>>, %arg4: memref<409600x128xf32, #tpu.memory_space<hbm>>, %arg5: memref<12800xi32, #tpu.memory_space<vmem>>, %arg6: memref<4x64x128xf32, #tpu.memory_space<vmem>>, %arg7: memref<8000x128xf32, #tpu.memory_space<vmem_shared>>, %arg8: memref<4x!tpu.dma_semaphore, #tpu.memory_space<semaphore_mem>>, %arg9: memref<4x!tpu.dma_semaphore, #tpu.memory_space<semaphore_mem>>, %arg10: memref<!tpu.dma_semaphore, #tpu.memory_space<semaphore_mem>>) attributes {dimension_semantics = [#tpu.dimension_semantics<core_parallel>, #tpu.dimension_semantics<subcore_parallel>], iteration_bounds = array<i64: 2, 16>, scalar_prefetch = 0 : i64, scratch_operands = 6 : i64, tpu.core_type = #tpu.core_type<sc_vector_subcore>, window_params = [{transform_indices = #map}, {transform_indices = #map1}, {transform_indices = #map}]} {
    %mul3A = arith.constant 2 : i32
    %mul3A_0 = arith.muli %arg1, %mul3A : i32
    %add3A = arith.addi %mul3A_0, %arg0 : i32
    %mul3A_1 = arith.constant 12800 : i32
    %mul3A_2 = arith.muli %add3A, %mul3A_1 : i32
    %lt3A = arith.constant 8 : i32
    %lt3A_3 = arith.cmpi slt, %arg1, %lt3A : i32
    %convert_element_type3A = arith.extui %lt3A_3 : i1 to i32
    %cond3A = arith.constant 0 : i32
    %cond3A_4 = arith.cmpi ne, %convert_element_type3A, %cond3A : i32
    scf.if %cond3A_4 {
      %mul3A_302 = arith.constant 1000 : i32
      %mul3A_303 = arith.muli %arg1, %mul3A_302 : i32
      %dma_start3A_304 = arith.constant 0 : i32
      %dma_start3A_305 = tpu.memref_slice %arg7[%mul3A_303, %dma_start3A_304] : memref<8000x128xf32, #tpu.memory_space<vmem_shared>> -> memref<1000x128xf32, #tpu.memory_space<vmem_shared>>
      %dma_start3A_306 = arith.constant 0 : i32
      %dma_start3A_307 = tpu.memref_slice %arg2[%mul3A_303, %dma_start3A_306] : memref<8000x128xf32, #tpu.memory_space<hbm>> -> memref<1000x128xf32, #tpu.memory_space<hbm>>
      tpu.enqueue_dma source(%dma_start3A_307 : memref<1000x128xf32, #tpu.memory_space<hbm>>) target(%dma_start3A_305 : memref<1000x128xf32, #tpu.memory_space<vmem_shared>>) target_semaphore(%arg10 : memref<!tpu.dma_semaphore, #tpu.memory_space<semaphore_mem>>)
    } else {
    }
    %jit3A = arith.constant 4 : i32
    %eq3A = arith.constant 0 : i32
    %eq3A_5 = arith.cmpi eq, %jit3A, %eq3A : i32
    %jit3A_6 = arith.constant 1 : i32
    %select_n3A = arith.select %eq3A_5, %jit3A_6, %jit3A : i32
    %rem3A = arith.remsi %add3A, %select_n3A : i32
    %ne3A = arith.constant 0 : i32
    %ne3A_7 = arith.cmpi ne, %rem3A, %ne3A : i32
    %lt3A_8 = arith.constant 0 : i32
    %lt3A_9 = arith.cmpi slt, %rem3A, %lt3A_8 : i32
    %lt3A_10 = arith.constant 0 : i32
    %lt3A_11 = arith.cmpi slt, %select_n3A, %lt3A_10 : i32
    %ne3A_12 = arith.xori %lt3A_9, %lt3A_11 : i1
    %and3A = arith.andi %ne3A_12, %ne3A_7 : i1
    %add3A_13 = arith.addi %rem3A, %select_n3A : i32
    %select_n3A_14 = arith.select %and3A, %add3A_13, %rem3A : i32
    %mul3A_15 = arith.constant 12800 : i32
    %mul3A_16 = arith.muli %select_n3A_14, %mul3A_15 : i32
    "tpu.region"() ({
      %run_scoped3A = tpu.sem_alloc : memref<!tpu.dma_semaphore, #tpu.memory_space<semaphore_mem>>
      %dma_start3A_302 = tpu.memref_slice %arg3[%mul3A_16] : memref<51200xi32, #tpu.memory_space<hbm>> -> memref<12800xi32, #tpu.memory_space<hbm>>
      %dma_start3A_303 = tpu.memref_slice %arg3[%mul3A_16] : memref<51200xi32, #tpu.memory_space<hbm>> -> memref<12800xi32, #tpu.memory_space<hbm>>
      tpu.enqueue_dma source(%dma_start3A_303 : memref<12800xi32, #tpu.memory_space<hbm>>) target(%arg5 : memref<12800xi32, #tpu.memory_space<vmem>>) target_semaphore(%run_scoped3A : memref<!tpu.dma_semaphore, #tpu.memory_space<semaphore_mem>>)
      %dma_wait3A_304 = tpu.memref_slice %arg3[%mul3A_16] : memref<51200xi32, #tpu.memory_space<hbm>> -> memref<12800xi32, #tpu.memory_space<hbm>>
      %dma_wait3A_305 = tpu.memref_slice %arg3[%mul3A_16] : memref<51200xi32, #tpu.memory_space<hbm>> -> memref<12800xi32, #tpu.memory_space<hbm>>
      tpu.wait_dma2 semaphore(%run_scoped3A : memref<!tpu.dma_semaphore, #tpu.memory_space<semaphore_mem>>) src(%dma_wait3A_305 : memref<12800xi32, #tpu.memory_space<hbm>>) dst(%arg5 : memref<12800xi32, #tpu.memory_space<vmem>>)
      tpu.yield
    }) : () -> ()
    %jit3A_17 = arith.constant 4 : i32
    %div3A = arith.divsi %add3A, %jit3A_17 : i32
    %sign3A = arith.constant 0 : i32
    %sign3A_18 = arith.cmpi sgt, %add3A, %sign3A : i32
    %sign3A_19 = arith.extui %sign3A_18 : i1 to i32
    %sign3A_20 = arith.constant 0 : i32
    %sign3A_21 = arith.cmpi slt, %add3A, %sign3A_20 : i32
    %sign3A_22 = arith.extui %sign3A_21 : i1 to i32
    %sign3A_23 = arith.subi %sign3A_19, %sign3A_22 : i32
    %sign3A_24 = arith.constant 0 : i32
    %sign3A_25 = arith.cmpi sgt, %jit3A_17, %sign3A_24 : i32
    %sign3A_26 = arith.extui %sign3A_25 : i1 to i32
    %sign3A_27 = arith.constant 0 : i32
    %sign3A_28 = arith.cmpi slt, %jit3A_17, %sign3A_27 : i32
    %sign3A_29 = arith.extui %sign3A_28 : i1 to i32
    %sign3A_30 = arith.subi %sign3A_26, %sign3A_29 : i32
    %ne3A_31 = arith.cmpi ne, %sign3A_23, %sign3A_30 : i32
    %rem3A_32 = arith.remsi %add3A, %jit3A_17 : i32
    %ne3A_33 = arith.constant 0 : i32
    %ne3A_34 = arith.cmpi ne, %rem3A_32, %ne3A_33 : i32
    %and3A_35 = arith.andi %ne3A_31, %ne3A_34 : i1
    %sub3A = arith.constant 1 : i32
    %sub3A_36 = arith.subi %div3A, %sub3A : i32
    %select_n3A_37 = arith.select %and3A_35, %sub3A_36, %div3A : i32
    %mul3A_38 = arith.constant 1000 : i32
    %mul3A_39 = arith.muli %select_n3A_37, %mul3A_38 : i32
    %scan3A = arith.constant 0 : i32
    %scan3A_40 = arith.constant 0 : i32
    %scan3A_41 = arith.constant 200 : i32
    %scan3A_42 = arith.addi %scan3A_40, %scan3A_41 : i32
    %scan3A_43 = arith.constant 1 : i32
    scf.for %scan3A_302 = %scan3A_40 to %scan3A_42 step %scan3A_43  : i32 {
      %mul3A_303 = arith.constant 64 : i32
      %mul3A_304 = arith.muli %scan3A_302, %mul3A_303 : i32
      %add3A_305 = arith.constant 0 : i32
      %add3A_306 = arith.addi %mul3A_304, %add3A_305 : i32
      %get3A = arith.index_cast %add3A_306 : i32 to index
      %get3A_307 = tpu.vector_load %arg5[%get3A] {strides = array<i32>} : memref<12800xi32, #tpu.memory_space<vmem>>, vector<16xi32>,
      %get3A_308 = vector.shape_cast %get3A_307 : vector<16xi32> to vector<16xi32>
      %add3A_309 = vector.broadcast %mul3A_39 : i32 to vector<16xi32>
      %add3A_310 = arith.addi %get3A_308, %add3A_309 : vector<16xi32>
      %swap3A = arith.index_cast %add3A_306 : i32 to index
      %swap3A_311 = tpu.vector_load %arg5[%swap3A] {strides = array<i32>} : memref<12800xi32, #tpu.memory_space<vmem>>, vector<16xi32>,
      %swap3A_312 = vector.shape_cast %swap3A_311 : vector<16xi32> to vector<16xi32>
      %swap3A_313 = vector.shape_cast %add3A_310 : vector<16xi32> to vector<16xi32>
      tpu.vector_store %arg5[%swap3A], %swap3A_313 {strides = array<i32>} : memref<12800xi32, #tpu.memory_space<vmem>>, vector<16xi32>,
      %mul3A_314 = arith.constant 64 : i32
      %mul3A_315 = arith.muli %scan3A_302, %mul3A_314 : i32
      %add3A_316 = arith.constant 16 : i32
      %add3A_317 = arith.addi %mul3A_315, %add3A_316 : i32
      %get3A_318 = arith.index_cast %add3A_317 : i32 to index
      %get3A_319 = tpu.vector_load %arg5[%get3A_318] {strides = array<i32>} : memref<12800xi32, #tpu.memory_space<vmem>>, vector<16xi32>,
      %get3A_320 = vector.shape_cast %get3A_319 : vector<16xi32> to vector<16xi32>
      %add3A_321 = vector.broadcast %mul3A_39 : i32 to vector<16xi32>
      %add3A_322 = arith.addi %get3A_320, %add3A_321 : vector<16xi32>
      %swap3A_323 = arith.index_cast %add3A_317 : i32 to index
      %swap3A_324 = tpu.vector_load %arg5[%swap3A_323] {strides = array<i32>} : memref<12800xi32, #tpu.memory_space<vmem>>, vector<16xi32>,
      %swap3A_325 = vector.shape_cast %swap3A_324 : vector<16xi32> to vector<16xi32>
      %swap3A_326 = vector.shape_cast %add3A_322 : vector<16xi32> to vector<16xi32>
      tpu.vector_store %arg5[%swap3A_323], %swap3A_326 {strides = array<i32>} : memref<12800xi32, #tpu.memory_space<vmem>>, vector<16xi32>,
      %mul3A_327 = arith.constant 64 : i32
      %mul3A_328 = arith.muli %scan3A_302, %mul3A_327 : i32
      %add3A_329 = arith.constant 32 : i32
      %add3A_330 = arith.addi %mul3A_328, %add3A_329 : i32
      %get3A_331 = arith.index_cast %add3A_330 : i32 to index
      %get3A_332 = tpu.vector_load %arg5[%get3A_331] {strides = array<i32>} : memref<12800xi32, #tpu.memory_space<vmem>>, vector<16xi32>,
      %get3A_333 = vector.shape_cast %get3A_332 : vector<16xi32> to vector<16xi32>
      %add3A_334 = vector.broadcast %mul3A_39 : i32 to vector<16xi32>
      %add3A_335 = arith.addi %get3A_333, %add3A_334 : vector<16xi32>
      %swap3A_336 = arith.index_cast %add3A_330 : i32 to index
      %swap3A_337 = tpu.vector_load %arg5[%swap3A_336] {strides = array<i32>} : memref<12800xi32, #tpu.memory_space<vmem>>, vector<16xi32>,
      %swap3A_338 = vector.shape_cast %swap3A_337 : vector<16xi32> to vector<16xi32>
      %swap3A_339 = vector.shape_cast %add3A_335 : vector<16xi32> to vector<16xi32>
      tpu.vector_store %arg5[%swap3A_336], %swap3A_339 {strides = array<i32>} : memref<12800xi32, #tpu.memory_space<vmem>>, vector<16xi32>,
      %mul3A_340 = arith.constant 64 : i32
      %mul3A_341 = arith.muli %scan3A_302, %mul3A_340 : i32
      %add3A_342 = arith.constant 48 : i32
      %add3A_343 = arith.addi %mul3A_341, %add3A_342 : i32
      %get3A_344 = arith.index_cast %add3A_343 : i32 to index
      %get3A_345 = tpu.vector_load %arg5[%get3A_344] {strides = array<i32>} : memref<12800xi32, #tpu.memory_space<vmem>>, vector<16xi32>,
      %get3A_346 = vector.shape_cast %get3A_345 : vector<16xi32> to vector<16xi32>
      %add3A_347 = vector.broadcast %mul3A_39 : i32 to vector<16xi32>
      %add3A_348 = arith.addi %get3A_346, %add3A_347 : vector<16xi32>
      %swap3A_349 = arith.index_cast %add3A_343 : i32 to index
      %swap3A_350 = tpu.vector_load %arg5[%swap3A_349] {strides = array<i32>} : memref<12800xi32, #tpu.memory_space<vmem>>, vector<16xi32>,
      %swap3A_351 = vector.shape_cast %swap3A_350 : vector<16xi32> to vector<16xi32>
      %swap3A_352 = vector.shape_cast %add3A_348 : vector<16xi32> to vector<16xi32>
      tpu.vector_store %arg5[%swap3A_349], %swap3A_352 {strides = array<i32>} : memref<12800xi32, #tpu.memory_space<vmem>>, vector<16xi32>,
    }
    %scan3A_44 = arith.constant 200 : i32
    %lt3A_45 = arith.constant 8 : i32
    %lt3A_46 = arith.cmpi slt, %arg1, %lt3A_45 : i32
    %convert_element_type3A_47 = arith.extui %lt3A_46 : i1 to i32
    %cond3A_48 = arith.constant 0 : i32
    %cond3A_49 = arith.cmpi ne, %convert_element_type3A_47, %cond3A_48 : i32
    scf.if %cond3A_49 {
      %mul3A_302 = arith.constant 1000 : i32
      %mul3A_303 = arith.muli %arg1, %mul3A_302 : i32
      %dma_wait3A_304 = arith.constant 0 : i32
      %dma_wait3A_305 = tpu.memref_slice %arg7[%mul3A_303, %dma_wait3A_304] : memref<8000x128xf32, #tpu.memory_space<vmem_shared>> -> memref<1000x128xf32, #tpu.memory_space<vmem_shared>>
      %dma_wait3A_306 = arith.constant 0 : i32
      %dma_wait3A_307 = tpu.memref_slice %arg2[%mul3A_303, %dma_wait3A_306] : memref<8000x128xf32, #tpu.memory_space<hbm>> -> memref<1000x128xf32, #tpu.memory_space<hbm>>
      tpu.wait_dma2 semaphore(%arg10 : memref<!tpu.dma_semaphore, #tpu.memory_space<semaphore_mem>>) src(%dma_wait3A_307 : memref<1000x128xf32, #tpu.memory_space<hbm>>) dst(%dma_wait3A_305 : memref<1000x128xf32, #tpu.memory_space<vmem_shared>>)
    } else {
    }
    %barrier3A = arith.constant 0 : index
    tpu.barrier barrier_id(%barrier3A)
    %dma_start3A = arith.constant 0 : i32
    %dma_start3A_50 = arith.constant 0 : i32
    %dma_start3A_51 = arith.constant 0 : i32
    %dma_start3A_52 = arith.constant 0 : i32
    %dma_start3A_53 = tpu.memref_slice %arg6[%dma_start3A, %dma_start3A_51, %dma_start3A_52] : memref<4x64x128xf32, #tpu.memory_space<vmem>> -> memref<1x64x128xf32, #tpu.memory_space<vmem>>
    %dma_start3A_54 = tpu.memref_squeeze %dma_start3A_53 : memref<1x64x128xf32, #tpu.memory_space<vmem>> -> memref<64x128xf32, #tpu.memory_space<vmem>>
    %dma_start3A_55 = arith.constant 0 : i32
    %dma_start3A_56 = tpu.memref_slice %arg5[%dma_start3A_55] : memref<12800xi32, #tpu.memory_space<vmem>> -> memref<64xi32, #tpu.memory_space<vmem>>
    %dma_start3A_57 = arith.constant 0 : i32
    %dma_start3A_58 = arith.constant 0 : i32
    %dma_start3A_59 = tpu.memref_slice %arg7[%dma_start3A_57, %dma_start3A_58] : memref<8000x128xf32, #tpu.memory_space<vmem_shared>> -> memref<8000x128xf32, #tpu.memory_space<vmem_shared>>
    %dma_start3A_60 = tpu.memref_slice %arg8[%dma_start3A_50] : memref<4x!tpu.dma_semaphore, #tpu.memory_space<semaphore_mem>> -> memref<1x!tpu.dma_semaphore, #tpu.memory_space<semaphore_mem>>
    %dma_start3A_61 = tpu.memref_squeeze %dma_start3A_60 : memref<1x!tpu.dma_semaphore, #tpu.memory_space<semaphore_mem>> -> memref<!tpu.dma_semaphore, #tpu.memory_space<semaphore_mem>>
    tpu.enqueue_indirect_dma source(%dma_start3A_59 : memref<8000x128xf32, #tpu.memory_space<vmem_shared>>) target(%dma_start3A_54 : memref<64x128xf32, #tpu.memory_space<vmem>>) offsets(%dma_start3A_56 : memref<64xi32, #tpu.memory_space<vmem>>) semaphore(%dma_start3A_61 : memref<!tpu.dma_semaphore, #tpu.memory_space<semaphore_mem>>)
    %dma_start3A_62 = arith.constant 1 : i32
    %dma_start3A_63 = arith.constant 1 : i32
    %dma_start3A_64 = arith.constant 0 : i32
    %dma_start3A_65 = arith.constant 0 : i32
    %dma_start3A_66 = tpu.memref_slice %arg6[%dma_start3A_62, %dma_start3A_64, %dma_start3A_65] : memref<4x64x128xf32, #tpu.memory_space<vmem>> -> memref<1x64x128xf32, #tpu.memory_space<vmem>>
    %dma_start3A_67 = tpu.memref_squeeze %dma_start3A_66 : memref<1x64x128xf32, #tpu.memory_space<vmem>> -> memref<64x128xf32, #tpu.memory_space<vmem>>
    %dma_start3A_68 = arith.constant 64 : i32
    %dma_start3A_69 = tpu.memref_slice %arg5[%dma_start3A_68] : memref<12800xi32, #tpu.memory_space<vmem>> -> memref<64xi32, #tpu.memory_space<vmem>>
    %dma_start3A_70 = arith.constant 0 : i32
    %dma_start3A_71 = arith.constant 0 : i32
    %dma_start3A_72 = tpu.memref_slice %arg7[%dma_start3A_70, %dma_start3A_71] : memref<8000x128xf32, #tpu.memory_space<vmem_shared>> -> memref<8000x128xf32, #tpu.memory_space<vmem_shared>>
    %dma_start3A_73 = tpu.memref_slice %arg8[%dma_start3A_63] : memref<4x!tpu.dma_semaphore, #tpu.memory_space<semaphore_mem>> -> memref<1x!tpu.dma_semaphore, #tpu.memory_space<semaphore_mem>>
    %dma_start3A_74 = tpu.memref_squeeze %dma_start3A_73 : memref<1x!tpu.dma_semaphore, #tpu.memory_space<semaphore_mem>> -> memref<!tpu.dma_semaphore, #tpu.memory_space<semaphore_mem>>
    tpu.enqueue_indirect_dma source(%dma_start3A_72 : memref<8000x128xf32, #tpu.memory_space<vmem_shared>>) target(%dma_start3A_67 : memref<64x128xf32, #tpu.memory_space<vmem>>) offsets(%dma_start3A_69 : memref<64xi32, #tpu.memory_space<vmem>>) semaphore(%dma_start3A_74 : memref<!tpu.dma_semaphore, #tpu.memory_space<semaphore_mem>>)
    %dma_start3A_75 = arith.constant 2 : i32
    %dma_start3A_76 = arith.constant 2 : i32
    %dma_start3A_77 = arith.constant 0 : i32
    %dma_start3A_78 = arith.constant 0 : i32
    %dma_start3A_79 = tpu.memref_slice %arg6[%dma_start3A_75, %dma_start3A_77, %dma_start3A_78] : memref<4x64x128xf32, #tpu.memory_space<vmem>> -> memref<1x64x128xf32, #tpu.memory_space<vmem>>
    %dma_start3A_80 = tpu.memref_squeeze %dma_start3A_79 : memref<1x64x128xf32, #tpu.memory_space<vmem>> -> memref<64x128xf32, #tpu.memory_space<vmem>>
    %dma_start3A_81 = arith.constant 128 : i32
    %dma_start3A_82 = tpu.memref_slice %arg5[%dma_start3A_81] : memref<12800xi32, #tpu.memory_space<vmem>> -> memref<64xi32, #tpu.memory_space<vmem>>
    %dma_start3A_83 = arith.constant 0 : i32
    %dma_start3A_84 = arith.constant 0 : i32
    %dma_start3A_85 = tpu.memref_slice %arg7[%dma_start3A_83, %dma_start3A_84] : memref<8000x128xf32, #tpu.memory_space<vmem_shared>> -> memref<8000x128xf32, #tpu.memory_space<vmem_shared>>
    %dma_start3A_86 = tpu.memref_slice %arg8[%dma_start3A_76] : memref<4x!tpu.dma_semaphore, #tpu.memory_space<semaphore_mem>> -> memref<1x!tpu.dma_semaphore, #tpu.memory_space<semaphore_mem>>
    %dma_start3A_87 = tpu.memref_squeeze %dma_start3A_86 : memref<1x!tpu.dma_semaphore, #tpu.memory_space<semaphore_mem>> -> memref<!tpu.dma_semaphore, #tpu.memory_space<semaphore_mem>>
    tpu.enqueue_indirect_dma source(%dma_start3A_85 : memref<8000x128xf32, #tpu.memory_space<vmem_shared>>) target(%dma_start3A_80 : memref<64x128xf32, #tpu.memory_space<vmem>>) offsets(%dma_start3A_82 : memref<64xi32, #tpu.memory_space<vmem>>) semaphore(%dma_start3A_87 : memref<!tpu.dma_semaphore, #tpu.memory_space<semaphore_mem>>)
    %dma_start3A_88 = arith.constant 3 : i32
    %dma_start3A_89 = arith.constant 3 : i32
    %dma_start3A_90 = arith.constant 0 : i32
    %dma_start3A_91 = arith.constant 0 : i32
    %dma_start3A_92 = tpu.memref_slice %arg6[%dma_start3A_88, %dma_start3A_90, %dma_start3A_91] : memref<4x64x128xf32, #tpu.memory_space<vmem>> -> memref<1x64x128xf32, #tpu.memory_space<vmem>>
    %dma_start3A_93 = tpu.memref_squeeze %dma_start3A_92 : memref<1x64x128xf32, #tpu.memory_space<vmem>> -> memref<64x128xf32, #tpu.memory_space<vmem>>
    %dma_start3A_94 = arith.constant 192 : i32
    %dma_start3A_95 = tpu.memref_slice %arg5[%dma_start3A_94] : memref<12800xi32, #tpu.memory_space<vmem>> -> memref<64xi32, #tpu.memory_space<vmem>>
    %dma_start3A_96 = arith.constant 0 : i32
    %dma_start3A_97 = arith.constant 0 : i32
    %dma_start3A_98 = tpu.memref_slice %arg7[%dma_start3A_96, %dma_start3A_97] : memref<8000x128xf32, #tpu.memory_space<vmem_shared>> -> memref<8000x128xf32, #tpu.memory_space<vmem_shared>>
    %dma_start3A_99 = tpu.memref_slice %arg8[%dma_start3A_89] : memref<4x!tpu.dma_semaphore, #tpu.memory_space<semaphore_mem>> -> memref<1x!tpu.dma_semaphore, #tpu.memory_space<semaphore_mem>>
    %dma_start3A_100 = tpu.memref_squeeze %dma_start3A_99 : memref<1x!tpu.dma_semaphore, #tpu.memory_space<semaphore_mem>> -> memref<!tpu.dma_semaphore, #tpu.memory_space<semaphore_mem>>
    tpu.enqueue_indirect_dma source(%dma_start3A_98 : memref<8000x128xf32, #tpu.memory_space<vmem_shared>>) target(%dma_start3A_93 : memref<64x128xf32, #tpu.memory_space<vmem>>) offsets(%dma_start3A_95 : memref<64xi32, #tpu.memory_space<vmem>>) semaphore(%dma_start3A_100 : memref<!tpu.dma_semaphore, #tpu.memory_space<semaphore_mem>>)
    %dma_wait3A = arith.constant 0 : i32
    %dma_wait3A_101 = arith.constant 0 : i32
    %dma_wait3A_102 = arith.constant 0 : i32
    %dma_wait3A_103 = arith.constant 0 : i32
    %dma_wait3A_104 = tpu.memref_slice %arg6[%dma_wait3A, %dma_wait3A_102, %dma_wait3A_103] : memref<4x64x128xf32, #tpu.memory_space<vmem>> -> memref<1x64x128xf32, #tpu.memory_space<vmem>>
    %dma_wait3A_105 = tpu.memref_squeeze %dma_wait3A_104 : memref<1x64x128xf32, #tpu.memory_space<vmem>> -> memref<64x128xf32, #tpu.memory_space<vmem>>
    %dma_wait3A_106 = arith.constant 0 : i32
    %dma_wait3A_107 = tpu.memref_slice %arg5[%dma_wait3A_106] : memref<12800xi32, #tpu.memory_space<vmem>> -> memref<64xi32, #tpu.memory_space<vmem>>
    %dma_wait3A_108 = arith.constant 0 : i32
    %dma_wait3A_109 = arith.constant 0 : i32
    %dma_wait3A_110 = tpu.memref_slice %arg7[%dma_wait3A_108, %dma_wait3A_109] : memref<8000x128xf32, #tpu.memory_space<vmem_shared>> -> memref<8000x128xf32, #tpu.memory_space<vmem_shared>>
    %dma_wait3A_111 = tpu.memref_slice %arg8[%dma_wait3A_101] : memref<4x!tpu.dma_semaphore, #tpu.memory_space<semaphore_mem>> -> memref<1x!tpu.dma_semaphore, #tpu.memory_space<semaphore_mem>>
    %dma_wait3A_112 = tpu.memref_squeeze %dma_wait3A_111 : memref<1x!tpu.dma_semaphore, #tpu.memory_space<semaphore_mem>> -> memref<!tpu.dma_semaphore, #tpu.memory_space<semaphore_mem>>
    tpu.wait_indirect_dma semaphore(%dma_wait3A_112 : memref<!tpu.dma_semaphore, #tpu.memory_space<semaphore_mem>>) src(%dma_wait3A_110 : memref<8000x128xf32, #tpu.memory_space<vmem_shared>>) dst(%dma_wait3A_105 : memref<64x128xf32, #tpu.memory_space<vmem>>)
    %add3A_113 = arith.constant 0 : i32
    %add3A_114 = arith.addi %mul3A_2, %add3A_113 : i32
    %dma_start3A_115 = arith.constant 0 : i32
    %dma_start3A_116 = arith.constant 0 : i32
    %dma_start3A_117 = arith.constant 0 : i32
    %dma_start3A_118 = arith.constant 0 : i32
    %dma_start3A_119 = tpu.memref_slice %arg6[%dma_start3A_115, %dma_start3A_117, %dma_start3A_118] : memref<4x64x128xf32, #tpu.memory_space<vmem>> -> memref<1x64x128xf32, #tpu.memory_space<vmem>>
    %dma_start3A_120 = tpu.memref_squeeze %dma_start3A_119 : memref<1x64x128xf32, #tpu.memory_space<vmem>> -> memref<64x128xf32, #tpu.memory_space<vmem>>
    %dma_start3A_121 = arith.constant 0 : i32
    %dma_start3A_122 = tpu.memref_slice %arg4[%add3A_114, %dma_start3A_121] : memref<409600x128xf32, #tpu.memory_space<hbm>> -> memref<64x128xf32, #tpu.memory_space<hbm>>
    %dma_start3A_123 = tpu.memref_slice %arg9[%dma_start3A_116] : memref<4x!tpu.dma_semaphore, #tpu.memory_space<semaphore_mem>> -> memref<1x!tpu.dma_semaphore, #tpu.memory_space<semaphore_mem>>
    %dma_start3A_124 = tpu.memref_squeeze %dma_start3A_123 : memref<1x!tpu.dma_semaphore, #tpu.memory_space<semaphore_mem>> -> memref<!tpu.dma_semaphore, #tpu.memory_space<semaphore_mem>>
    %dma_start3A_125 = arith.constant 0 : i32
    %dma_start3A_126 = tpu.memref_slice %arg4[%add3A_114, %dma_start3A_125] : memref<409600x128xf32, #tpu.memory_space<hbm>> -> memref<64x128xf32, #tpu.memory_space<hbm>>
    %dma_start3A_127 = arith.constant 0 : i32
    %dma_start3A_128 = arith.constant 0 : i32
    %dma_start3A_129 = tpu.memref_slice %arg6[%dma_start3A_115, %dma_start3A_127, %dma_start3A_128] : memref<4x64x128xf32, #tpu.memory_space<vmem>> -> memref<1x64x128xf32, #tpu.memory_space<vmem>>
    %dma_start3A_130 = tpu.memref_squeeze %dma_start3A_129 : memref<1x64x128xf32, #tpu.memory_space<vmem>> -> memref<64x128xf32, #tpu.memory_space<vmem>>
    tpu.enqueue_dma source(%dma_start3A_130 : memref<64x128xf32, #tpu.memory_space<vmem>>) target(%dma_start3A_126 : memref<64x128xf32, #tpu.memory_space<hbm>>) target_semaphore(%dma_start3A_124 : memref<!tpu.dma_semaphore, #tpu.memory_space<semaphore_mem>>)
    %dma_wait3A_131 = arith.constant 1 : i32
    %dma_wait3A_132 = arith.constant 1 : i32
    %dma_wait3A_133 = arith.constant 0 : i32
    %dma_wait3A_134 = arith.constant 0 : i32
    %dma_wait3A_135 = tpu.memref_slice %arg6[%dma_wait3A_131, %dma_wait3A_133, %dma_wait3A_134] : memref<4x64x128xf32, #tpu.memory_space<vmem>> -> memref<1x64x128xf32, #tpu.memory_space<vmem>>
    %dma_wait3A_136 = tpu.memref_squeeze %dma_wait3A_135 : memref<1x64x128xf32, #tpu.memory_space<vmem>> -> memref<64x128xf32, #tpu.memory_space<vmem>>
    %dma_wait3A_137 = arith.constant 64 : i32
    %dma_wait3A_138 = tpu.memref_slice %arg5[%dma_wait3A_137] : memref<12800xi32, #tpu.memory_space<vmem>> -> memref<64xi32, #tpu.memory_space<vmem>>
    %dma_wait3A_139 = arith.constant 0 : i32
    %dma_wait3A_140 = arith.constant 0 : i32
    %dma_wait3A_141 = tpu.memref_slice %arg7[%dma_wait3A_139, %dma_wait3A_140] : memref<8000x128xf32, #tpu.memory_space<vmem_shared>> -> memref<8000x128xf32, #tpu.memory_space<vmem_shared>>
    %dma_wait3A_142 = tpu.memref_slice %arg8[%dma_wait3A_132] : memref<4x!tpu.dma_semaphore, #tpu.memory_space<semaphore_mem>> -> memref<1x!tpu.dma_semaphore, #tpu.memory_space<semaphore_mem>>
    %dma_wait3A_143 = tpu.memref_squeeze %dma_wait3A_142 : memref<1x!tpu.dma_semaphore, #tpu.memory_space<semaphore_mem>> -> memref<!tpu.dma_semaphore, #tpu.memory_space<semaphore_mem>>
    tpu.wait_indirect_dma semaphore(%dma_wait3A_143 : memref<!tpu.dma_semaphore, #tpu.memory_space<semaphore_mem>>) src(%dma_wait3A_141 : memref<8000x128xf32, #tpu.memory_space<vmem_shared>>) dst(%dma_wait3A_136 : memref<64x128xf32, #tpu.memory_space<vmem>>)
    %add3A_144 = arith.constant 64 : i32
    %add3A_145 = arith.addi %mul3A_2, %add3A_144 : i32
    %dma_start3A_146 = arith.constant 1 : i32
    %dma_start3A_147 = arith.constant 1 : i32
    %dma_start3A_148 = arith.constant 0 : i32
    %dma_start3A_149 = arith.constant 0 : i32
    %dma_start3A_150 = tpu.memref_slice %arg6[%dma_start3A_146, %dma_start3A_148, %dma_start3A_149] : memref<4x64x128xf32, #tpu.memory_space<vmem>> -> memref<1x64x128xf32, #tpu.memory_space<vmem>>
    %dma_start3A_151 = tpu.memref_squeeze %dma_start3A_150 : memref<1x64x128xf32, #tpu.memory_space<vmem>> -> memref<64x128xf32, #tpu.memory_space<vmem>>
    %dma_start3A_152 = arith.constant 0 : i32
    %dma_start3A_153 = tpu.memref_slice %arg4[%add3A_145, %dma_start3A_152] : memref<409600x128xf32, #tpu.memory_space<hbm>> -> memref<64x128xf32, #tpu.memory_space<hbm>>
    %dma_start3A_154 = tpu.memref_slice %arg9[%dma_start3A_147] : memref<4x!tpu.dma_semaphore, #tpu.memory_space<semaphore_mem>> -> memref<1x!tpu.dma_semaphore, #tpu.memory_space<semaphore_mem>>
    %dma_start3A_155 = tpu.memref_squeeze %dma_start3A_154 : memref<1x!tpu.dma_semaphore, #tpu.memory_space<semaphore_mem>> -> memref<!tpu.dma_semaphore, #tpu.memory_space<semaphore_mem>>
    %dma_start3A_156 = arith.constant 0 : i32
    %dma_start3A_157 = tpu.memref_slice %arg4[%add3A_145, %dma_start3A_156] : memref<409600x128xf32, #tpu.memory_space<hbm>> -> memref<64x128xf32, #tpu.memory_space<hbm>>
    %dma_start3A_158 = arith.constant 0 : i32
    %dma_start3A_159 = arith.constant 0 : i32
    %dma_start3A_160 = tpu.memref_slice %arg6[%dma_start3A_146, %dma_start3A_158, %dma_start3A_159] : memref<4x64x128xf32, #tpu.memory_space<vmem>> -> memref<1x64x128xf32, #tpu.memory_space<vmem>>
    %dma_start3A_161 = tpu.memref_squeeze %dma_start3A_160 : memref<1x64x128xf32, #tpu.memory_space<vmem>> -> memref<64x128xf32, #tpu.memory_space<vmem>>
    tpu.enqueue_dma source(%dma_start3A_161 : memref<64x128xf32, #tpu.memory_space<vmem>>) target(%dma_start3A_157 : memref<64x128xf32, #tpu.memory_space<hbm>>) target_semaphore(%dma_start3A_155 : memref<!tpu.dma_semaphore, #tpu.memory_space<semaphore_mem>>)
    %dma_wait3A_162 = arith.constant 2 : i32
    %dma_wait3A_163 = arith.constant 2 : i32
    %dma_wait3A_164 = arith.constant 0 : i32
    %dma_wait3A_165 = arith.constant 0 : i32
    %dma_wait3A_166 = tpu.memref_slice %arg6[%dma_wait3A_162, %dma_wait3A_164, %dma_wait3A_165] : memref<4x64x128xf32, #tpu.memory_space<vmem>> -> memref<1x64x128xf32, #tpu.memory_space<vmem>>
    %dma_wait3A_167 = tpu.memref_squeeze %dma_wait3A_166 : memref<1x64x128xf32, #tpu.memory_space<vmem>> -> memref<64x128xf32, #tpu.memory_space<vmem>>
    %dma_wait3A_168 = arith.constant 128 : i32
    %dma_wait3A_169 = tpu.memref_slice %arg5[%dma_wait3A_168] : memref<12800xi32, #tpu.memory_space<vmem>> -> memref<64xi32, #tpu.memory_space<vmem>>
    %dma_wait3A_170 = arith.constant 0 : i32
    %dma_wait3A_171 = arith.constant 0 : i32
    %dma_wait3A_172 = tpu.memref_slice %arg7[%dma_wait3A_170, %dma_wait3A_171] : memref<8000x128xf32, #tpu.memory_space<vmem_shared>> -> memref<8000x128xf32, #tpu.memory_space<vmem_shared>>
    %dma_wait3A_173 = tpu.memref_slice %arg8[%dma_wait3A_163] : memref<4x!tpu.dma_semaphore, #tpu.memory_space<semaphore_mem>> -> memref<1x!tpu.dma_semaphore, #tpu.memory_space<semaphore_mem>>
    %dma_wait3A_174 = tpu.memref_squeeze %dma_wait3A_173 : memref<1x!tpu.dma_semaphore, #tpu.memory_space<semaphore_mem>> -> memref<!tpu.dma_semaphore, #tpu.memory_space<semaphore_mem>>
    tpu.wait_indirect_dma semaphore(%dma_wait3A_174 : memref<!tpu.dma_semaphore, #tpu.memory_space<semaphore_mem>>) src(%dma_wait3A_172 : memref<8000x128xf32, #tpu.memory_space<vmem_shared>>) dst(%dma_wait3A_167 : memref<64x128xf32, #tpu.memory_space<vmem>>)
    %add3A_175 = arith.constant 128 : i32
    %add3A_176 = arith.addi %mul3A_2, %add3A_175 : i32
    %dma_start3A_177 = arith.constant 2 : i32
    %dma_start3A_178 = arith.constant 2 : i32
    %dma_start3A_179 = arith.constant 0 : i32
    %dma_start3A_180 = arith.constant 0 : i32
    %dma_start3A_181 = tpu.memref_slice %arg6[%dma_start3A_177, %dma_start3A_179, %dma_start3A_180] : memref<4x64x128xf32, #tpu.memory_space<vmem>> -> memref<1x64x128xf32, #tpu.memory_space<vmem>>
    %dma_start3A_182 = tpu.memref_squeeze %dma_start3A_181 : memref<1x64x128xf32, #tpu.memory_space<vmem>> -> memref<64x128xf32, #tpu.memory_space<vmem>>
    %dma_start3A_183 = arith.constant 0 : i32
    %dma_start3A_184 = tpu.memref_slice %arg4[%add3A_176, %dma_start3A_183] : memref<409600x128xf32, #tpu.memory_space<hbm>> -> memref<64x128xf32, #tpu.memory_space<hbm>>
    %dma_start3A_185 = tpu.memref_slice %arg9[%dma_start3A_178] : memref<4x!tpu.dma_semaphore, #tpu.memory_space<semaphore_mem>> -> memref<1x!tpu.dma_semaphore, #tpu.memory_space<semaphore_mem>>
    %dma_start3A_186 = tpu.memref_squeeze %dma_start3A_185 : memref<1x!tpu.dma_semaphore, #tpu.memory_space<semaphore_mem>> -> memref<!tpu.dma_semaphore, #tpu.memory_space<semaphore_mem>>
    %dma_start3A_187 = arith.constant 0 : i32
    %dma_start3A_188 = tpu.memref_slice %arg4[%add3A_176, %dma_start3A_187] : memref<409600x128xf32, #tpu.memory_space<hbm>> -> memref<64x128xf32, #tpu.memory_space<hbm>>
    %dma_start3A_189 = arith.constant 0 : i32
    %dma_start3A_190 = arith.constant 0 : i32
    %dma_start3A_191 = tpu.memref_slice %arg6[%dma_start3A_177, %dma_start3A_189, %dma_start3A_190] : memref<4x64x128xf32, #tpu.memory_space<vmem>> -> memref<1x64x128xf32, #tpu.memory_space<vmem>>
    %dma_start3A_192 = tpu.memref_squeeze %dma_start3A_191 : memref<1x64x128xf32, #tpu.memory_space<vmem>> -> memref<64x128xf32, #tpu.memory_space<vmem>>
    tpu.enqueue_dma source(%dma_start3A_192 : memref<64x128xf32, #tpu.memory_space<vmem>>) target(%dma_start3A_188 : memref<64x128xf32, #tpu.memory_space<hbm>>) target_semaphore(%dma_start3A_186 : memref<!tpu.dma_semaphore, #tpu.memory_space<semaphore_mem>>)
    %scan3A_193 = arith.constant 0 : i32
    %scan3A_194 = arith.constant 1 : i32
    %scan3A_195 = arith.constant 49 : i32
    %scan3A_196 = arith.addi %scan3A_194, %scan3A_195 : i32
    %scan3A_197 = arith.constant 1 : i32
    scf.for %scan3A_302 = %scan3A_194 to %scan3A_196 step %scan3A_197  : i32 {
      %mul3A_303 = arith.constant 4 : i32
      %mul3A_304 = arith.muli %scan3A_302, %mul3A_303 : i32
      %add3A_305 = arith.constant 0 : i32
      %add3A_306 = arith.addi %mul3A_304, %add3A_305 : i32
      %sub3A_307 = arith.constant 4 : i32
      %sub3A_308 = arith.subi %add3A_306, %sub3A_307 : i32
      %mul3A_309 = arith.constant 64 : i32
      %mul3A_310 = arith.muli %sub3A_308, %mul3A_309 : i32
      %add3A_311 = arith.addi %mul3A_2, %mul3A_310 : i32
      %dma_wait3A_312 = arith.constant 0 : i32
      %dma_wait3A_313 = arith.constant 0 : i32
      %dma_wait3A_314 = arith.constant 0 : i32
      %dma_wait3A_315 = arith.constant 0 : i32
      %dma_wait3A_316 = tpu.memref_slice %arg6[%dma_wait3A_312, %dma_wait3A_314, %dma_wait3A_315] : memref<4x64x128xf32, #tpu.memory_space<vmem>> -> memref<1x64x128xf32, #tpu.memory_space<vmem>>
      %dma_wait3A_317 = tpu.memref_squeeze %dma_wait3A_316 : memref<1x64x128xf32, #tpu.memory_space<vmem>> -> memref<64x128xf32, #tpu.memory_space<vmem>>
      %dma_wait3A_318 = arith.constant 0 : i32
      %dma_wait3A_319 = tpu.memref_slice %arg4[%add3A_311, %dma_wait3A_318] : memref<409600x128xf32, #tpu.memory_space<hbm>> -> memref<64x128xf32, #tpu.memory_space<hbm>>
      %dma_wait3A_320 = tpu.memref_slice %arg9[%dma_wait3A_313] : memref<4x!tpu.dma_semaphore, #tpu.memory_space<semaphore_mem>> -> memref<1x!tpu.dma_semaphore, #tpu.memory_space<semaphore_mem>>
      %dma_wait3A_321 = tpu.memref_squeeze %dma_wait3A_320 : memref<1x!tpu.dma_semaphore, #tpu.memory_space<semaphore_mem>> -> memref<!tpu.dma_semaphore, #tpu.memory_space<semaphore_mem>>
      %dma_wait3A_322 = arith.constant 0 : i32
      %dma_wait3A_323 = tpu.memref_slice %arg4[%add3A_311, %dma_wait3A_322] : memref<409600x128xf32, #tpu.memory_space<hbm>> -> memref<64x128xf32, #tpu.memory_space<hbm>>
      %dma_wait3A_324 = arith.constant 0 : i32
      %dma_wait3A_325 = arith.constant 0 : i32
      %dma_wait3A_326 = tpu.memref_slice %arg6[%dma_wait3A_312, %dma_wait3A_324, %dma_wait3A_325] : memref<4x64x128xf32, #tpu.memory_space<vmem>> -> memref<1x64x128xf32, #tpu.memory_space<vmem>>
      %dma_wait3A_327 = tpu.memref_squeeze %dma_wait3A_326 : memref<1x64x128xf32, #tpu.memory_space<vmem>> -> memref<64x128xf32, #tpu.memory_space<vmem>>
      tpu.wait_dma2 semaphore(%dma_wait3A_321 : memref<!tpu.dma_semaphore, #tpu.memory_space<semaphore_mem>>) src(%dma_wait3A_327 : memref<64x128xf32, #tpu.memory_space<vmem>>) dst(%dma_wait3A_323 : memref<64x128xf32, #tpu.memory_space<hbm>>)
      %mul3A_328 = arith.constant 64 : i32
      %mul3A_329 = arith.muli %add3A_306, %mul3A_328 : i32
      %dma_start3A_330 = arith.constant 0 : i32
      %dma_start3A_331 = arith.constant 0 : i32
      %dma_start3A_332 = arith.constant 0 : i32
      %dma_start3A_333 = arith.constant 0 : i32
      %dma_start3A_334 = tpu.memref_slice %arg6[%dma_start3A_330, %dma_start3A_332, %dma_start3A_333] : memref<4x64x128xf32, #tpu.memory_space<vmem>> -> memref<1x64x128xf32, #tpu.memory_space<vmem>>
      %dma_start3A_335 = tpu.memref_squeeze %dma_start3A_334 : memref<1x64x128xf32, #tpu.memory_space<vmem>> -> memref<64x128xf32, #tpu.memory_space<vmem>>
      %dma_start3A_336 = tpu.memref_slice %arg5[%mul3A_329] : memref<12800xi32, #tpu.memory_space<vmem>> -> memref<64xi32, #tpu.memory_space<vmem>>
      %dma_start3A_337 = arith.constant 0 : i32
      %dma_start3A_338 = arith.constant 0 : i32
      %dma_start3A_339 = tpu.memref_slice %arg7[%dma_start3A_337, %dma_start3A_338] : memref<8000x128xf32, #tpu.memory_space<vmem_shared>> -> memref<8000x128xf32, #tpu.memory_space<vmem_shared>>
      %dma_start3A_340 = tpu.memref_slice %arg8[%dma_start3A_331] : memref<4x!tpu.dma_semaphore, #tpu.memory_space<semaphore_mem>> -> memref<1x!tpu.dma_semaphore, #tpu.memory_space<semaphore_mem>>
      %dma_start3A_341 = tpu.memref_squeeze %dma_start3A_340 : memref<1x!tpu.dma_semaphore, #tpu.memory_space<semaphore_mem>> -> memref<!tpu.dma_semaphore, #tpu.memory_space<semaphore_mem>>
      tpu.enqueue_indirect_dma source(%dma_start3A_339 : memref<8000x128xf32, #tpu.memory_space<vmem_shared>>) target(%dma_start3A_335 : memref<64x128xf32, #tpu.memory_space<vmem>>) offsets(%dma_start3A_336 : memref<64xi32, #tpu.memory_space<vmem>>) semaphore(%dma_start3A_341 : memref<!tpu.dma_semaphore, #tpu.memory_space<semaphore_mem>>)
      %sub3A_342 = arith.constant 1 : i32
      %sub3A_343 = arith.subi %add3A_306, %sub3A_342 : i32
      %mul3A_344 = arith.constant 64 : i32
      %mul3A_345 = arith.muli %sub3A_343, %mul3A_344 : i32
      %dma_wait3A_346 = arith.constant 3 : i32
      %dma_wait3A_347 = arith.constant 3 : i32
      %dma_wait3A_348 = arith.constant 0 : i32
      %dma_wait3A_349 = arith.constant 0 : i32
      %dma_wait3A_350 = tpu.memref_slice %arg6[%dma_wait3A_346, %dma_wait3A_348, %dma_wait3A_349] : memref<4x64x128xf32, #tpu.memory_space<vmem>> -> memref<1x64x128xf32, #tpu.memory_space<vmem>>
      %dma_wait3A_351 = tpu.memref_squeeze %dma_wait3A_350 : memref<1x64x128xf32, #tpu.memory_space<vmem>> -> memref<64x128xf32, #tpu.memory_space<vmem>>
      %dma_wait3A_352 = tpu.memref_slice %arg5[%mul3A_345] : memref<12800xi32, #tpu.memory_space<vmem>> -> memref<64xi32, #tpu.memory_space<vmem>>
      %dma_wait3A_353 = arith.constant 0 : i32
      %dma_wait3A_354 = arith.constant 0 : i32
      %dma_wait3A_355 = tpu.memref_slice %arg7[%dma_wait3A_353, %dma_wait3A_354] : memref<8000x128xf32, #tpu.memory_space<vmem_shared>> -> memref<8000x128xf32, #tpu.memory_space<vmem_shared>>
      %dma_wait3A_356 = tpu.memref_slice %arg8[%dma_wait3A_347] : memref<4x!tpu.dma_semaphore, #tpu.memory_space<semaphore_mem>> -> memref<1x!tpu.dma_semaphore, #tpu.memory_space<semaphore_mem>>
      %dma_wait3A_357 = tpu.memref_squeeze %dma_wait3A_356 : memref<1x!tpu.dma_semaphore, #tpu.memory_space<semaphore_mem>> -> memref<!tpu.dma_semaphore, #tpu.memory_space<semaphore_mem>>
      tpu.wait_indirect_dma semaphore(%dma_wait3A_357 : memref<!tpu.dma_semaphore, #tpu.memory_space<semaphore_mem>>) src(%dma_wait3A_355 : memref<8000x128xf32, #tpu.memory_space<vmem_shared>>) dst(%dma_wait3A_351 : memref<64x128xf32, #tpu.memory_space<vmem>>)
      %sub3A_358 = arith.constant 1 : i32
      %sub3A_359 = arith.subi %add3A_306, %sub3A_358 : i32
      %mul3A_360 = arith.constant 64 : i32
      %mul3A_361 = arith.muli %sub3A_359, %mul3A_360 : i32
      %add3A_362 = arith.addi %mul3A_2, %mul3A_361 : i32
      %dma_start3A_363 = arith.constant 3 : i32
      %dma_start3A_364 = arith.constant 3 : i32
      %dma_start3A_365 = arith.constant 0 : i32
      %dma_start3A_366 = arith.constant 0 : i32
      %dma_start3A_367 = tpu.memref_slice %arg6[%dma_start3A_363, %dma_start3A_365, %dma_start3A_366] : memref<4x64x128xf32, #tpu.memory_space<vmem>> -> memref<1x64x128xf32, #tpu.memory_space<vmem>>
      %dma_start3A_368 = tpu.memref_squeeze %dma_start3A_367 : memref<1x64x128xf32, #tpu.memory_space<vmem>> -> memref<64x128xf32, #tpu.memory_space<vmem>>
      %dma_start3A_369 = arith.constant 0 : i32
      %dma_start3A_370 = tpu.memref_slice %arg4[%add3A_362, %dma_start3A_369] : memref<409600x128xf32, #tpu.memory_space<hbm>> -> memref<64x128xf32, #tpu.memory_space<hbm>>
      %dma_start3A_371 = tpu.memref_slice %arg9[%dma_start3A_364] : memref<4x!tpu.dma_semaphore, #tpu.memory_space<semaphore_mem>> -> memref<1x!tpu.dma_semaphore, #tpu.memory_space<semaphore_mem>>
      %dma_start3A_372 = tpu.memref_squeeze %dma_start3A_371 : memref<1x!tpu.dma_semaphore, #tpu.memory_space<semaphore_mem>> -> memref<!tpu.dma_semaphore, #tpu.memory_space<semaphore_mem>>
      %dma_start3A_373 = arith.constant 0 : i32
      %dma_start3A_374 = tpu.memref_slice %arg4[%add3A_362, %dma_start3A_373] : memref<409600x128xf32, #tpu.memory_space<hbm>> -> memref<64x128xf32, #tpu.memory_space<hbm>>
      %dma_start3A_375 = arith.constant 0 : i32
      %dma_start3A_376 = arith.constant 0 : i32
      %dma_start3A_377 = tpu.memref_slice %arg6[%dma_start3A_363, %dma_start3A_375, %dma_start3A_376] : memref<4x64x128xf32, #tpu.memory_space<vmem>> -> memref<1x64x128xf32, #tpu.memory_space<vmem>>
      %dma_start3A_378 = tpu.memref_squeeze %dma_start3A_377 : memref<1x64x128xf32, #tpu.memory_space<vmem>> -> memref<64x128xf32, #tpu.memory_space<vmem>>
      tpu.enqueue_dma source(%dma_start3A_378 : memref<64x128xf32, #tpu.memory_space<vmem>>) target(%dma_start3A_374 : memref<64x128xf32, #tpu.memory_space<hbm>>) target_semaphore(%dma_start3A_372 : memref<!tpu.dma_semaphore, #tpu.memory_space<semaphore_mem>>)
      %add3A_379 = arith.constant 1 : i32
      %add3A_380 = arith.addi %mul3A_304, %add3A_379 : i32
      %sub3A_381 = arith.constant 4 : i32
      %sub3A_382 = arith.subi %add3A_380, %sub3A_381 : i32
      %mul3A_383 = arith.constant 64 : i32
      %mul3A_384 = arith.muli %sub3A_382, %mul3A_383 : i32
      %add3A_385 = arith.addi %mul3A_2, %mul3A_384 : i32
      %dma_wait3A_386 = arith.constant 1 : i32
      %dma_wait3A_387 = arith.constant 1 : i32
      %dma_wait3A_388 = arith.constant 0 : i32
      %dma_wait3A_389 = arith.constant 0 : i32
      %dma_wait3A_390 = tpu.memref_slice %arg6[%dma_wait3A_386, %dma_wait3A_388, %dma_wait3A_389] : memref<4x64x128xf32, #tpu.memory_space<vmem>> -> memref<1x64x128xf32, #tpu.memory_space<vmem>>
      %dma_wait3A_391 = tpu.memref_squeeze %dma_wait3A_390 : memref<1x64x128xf32, #tpu.memory_space<vmem>> -> memref<64x128xf32, #tpu.memory_space<vmem>>
      %dma_wait3A_392 = arith.constant 0 : i32
      %dma_wait3A_393 = tpu.memref_slice %arg4[%add3A_385, %dma_wait3A_392] : memref<409600x128xf32, #tpu.memory_space<hbm>> -> memref<64x128xf32, #tpu.memory_space<hbm>>
      %dma_wait3A_394 = tpu.memref_slice %arg9[%dma_wait3A_387] : memref<4x!tpu.dma_semaphore, #tpu.memory_space<semaphore_mem>> -> memref<1x!tpu.dma_semaphore, #tpu.memory_space<semaphore_mem>>
      %dma_wait3A_395 = tpu.memref_squeeze %dma_wait3A_394 : memref<1x!tpu.dma_semaphore, #tpu.memory_space<semaphore_mem>> -> memref<!tpu.dma_semaphore, #tpu.memory_space<semaphore_mem>>
      %dma_wait3A_396 = arith.constant 0 : i32
      %dma_wait3A_397 = tpu.memref_slice %arg4[%add3A_385, %dma_wait3A_396] : memref<409600x128xf32, #tpu.memory_space<hbm>> -> memref<64x128xf32, #tpu.memory_space<hbm>>
      %dma_wait3A_398 = arith.constant 0 : i32
      %dma_wait3A_399 = arith.constant 0 : i32
      %dma_wait3A_400 = tpu.memref_slice %arg6[%dma_wait3A_386, %dma_wait3A_398, %dma_wait3A_399] : memref<4x64x128xf32, #tpu.memory_space<vmem>> -> memref<1x64x128xf32, #tpu.memory_space<vmem>>
      %dma_wait3A_401 = tpu.memref_squeeze %dma_wait3A_400 : memref<1x64x128xf32, #tpu.memory_space<vmem>> -> memref<64x128xf32, #tpu.memory_space<vmem>>
      tpu.wait_dma2 semaphore(%dma_wait3A_395 : memref<!tpu.dma_semaphore, #tpu.memory_space<semaphore_mem>>) src(%dma_wait3A_401 : memref<64x128xf32, #tpu.memory_space<vmem>>) dst(%dma_wait3A_397 : memref<64x128xf32, #tpu.memory_space<hbm>>)
      %mul3A_402 = arith.constant 64 : i32
      %mul3A_403 = arith.muli %add3A_380, %mul3A_402 : i32
      %dma_start3A_404 = arith.constant 1 : i32
      %dma_start3A_405 = arith.constant 1 : i32
      %dma_start3A_406 = arith.constant 0 : i32
      %dma_start3A_407 = arith.constant 0 : i32
      %dma_start3A_408 = tpu.memref_slice %arg6[%dma_start3A_404, %dma_start3A_406, %dma_start3A_407] : memref<4x64x128xf32, #tpu.memory_space<vmem>> -> memref<1x64x128xf32, #tpu.memory_space<vmem>>
      %dma_start3A_409 = tpu.memref_squeeze %dma_start3A_408 : memref<1x64x128xf32, #tpu.memory_space<vmem>> -> memref<64x128xf32, #tpu.memory_space<vmem>>
      %dma_start3A_410 = tpu.memref_slice %arg5[%mul3A_403] : memref<12800xi32, #tpu.memory_space<vmem>> -> memref<64xi32, #tpu.memory_space<vmem>>
      %dma_start3A_411 = arith.constant 0 : i32
      %dma_start3A_412 = arith.constant 0 : i32
      %dma_start3A_413 = tpu.memref_slice %arg7[%dma_start3A_411, %dma_start3A_412] : memref<8000x128xf32, #tpu.memory_space<vmem_shared>> -> memref<8000x128xf32, #tpu.memory_space<vmem_shared>>
      %dma_start3A_414 = tpu.memref_slice %arg8[%dma_start3A_405] : memref<4x!tpu.dma_semaphore, #tpu.memory_space<semaphore_mem>> -> memref<1x!tpu.dma_semaphore, #tpu.memory_space<semaphore_mem>>
      %dma_start3A_415 = tpu.memref_squeeze %dma_start3A_414 : memref<1x!tpu.dma_semaphore, #tpu.memory_space<semaphore_mem>> -> memref<!tpu.dma_semaphore, #tpu.memory_space<semaphore_mem>>
      tpu.enqueue_indirect_dma source(%dma_start3A_413 : memref<8000x128xf32, #tpu.memory_space<vmem_shared>>) target(%dma_start3A_409 : memref<64x128xf32, #tpu.memory_space<vmem>>) offsets(%dma_start3A_410 : memref<64xi32, #tpu.memory_space<vmem>>) semaphore(%dma_start3A_415 : memref<!tpu.dma_semaphore, #tpu.memory_space<semaphore_mem>>)
      %sub3A_416 = arith.constant 1 : i32
      %sub3A_417 = arith.subi %add3A_380, %sub3A_416 : i32
      %mul3A_418 = arith.constant 64 : i32
      %mul3A_419 = arith.muli %sub3A_417, %mul3A_418 : i32
      %dma_wait3A_420 = arith.constant 0 : i32
      %dma_wait3A_421 = arith.constant 0 : i32
      %dma_wait3A_422 = arith.constant 0 : i32
      %dma_wait3A_423 = arith.constant 0 : i32
      %dma_wait3A_424 = tpu.memref_slice %arg6[%dma_wait3A_420, %dma_wait3A_422, %dma_wait3A_423] : memref<4x64x128xf32, #tpu.memory_space<vmem>> -> memref<1x64x128xf32, #tpu.memory_space<vmem>>
      %dma_wait3A_425 = tpu.memref_squeeze %dma_wait3A_424 : memref<1x64x128xf32, #tpu.memory_space<vmem>> -> memref<64x128xf32, #tpu.memory_space<vmem>>
      %dma_wait3A_426 = tpu.memref_slice %arg5[%mul3A_419] : memref<12800xi32, #tpu.memory_space<vmem>> -> memref<64xi32, #tpu.memory_space<vmem>>
      %dma_wait3A_427 = arith.constant 0 : i32
      %dma_wait3A_428 = arith.constant 0 : i32
      %dma_wait3A_429 = tpu.memref_slice %arg7[%dma_wait3A_427, %dma_wait3A_428] : memref<8000x128xf32, #tpu.memory_space<vmem_shared>> -> memref<8000x128xf32, #tpu.memory_space<vmem_shared>>
      %dma_wait3A_430 = tpu.memref_slice %arg8[%dma_wait3A_421] : memref<4x!tpu.dma_semaphore, #tpu.memory_space<semaphore_mem>> -> memref<1x!tpu.dma_semaphore, #tpu.memory_space<semaphore_mem>>
      %dma_wait3A_431 = tpu.memref_squeeze %dma_wait3A_430 : memref<1x!tpu.dma_semaphore, #tpu.memory_space<semaphore_mem>> -> memref<!tpu.dma_semaphore, #tpu.memory_space<semaphore_mem>>
      tpu.wait_indirect_dma semaphore(%dma_wait3A_431 : memref<!tpu.dma_semaphore, #tpu.memory_space<semaphore_mem>>) src(%dma_wait3A_429 : memref<8000x128xf32, #tpu.memory_space<vmem_shared>>) dst(%dma_wait3A_425 : memref<64x128xf32, #tpu.memory_space<vmem>>)
      %sub3A_432 = arith.constant 1 : i32
      %sub3A_433 = arith.subi %add3A_380, %sub3A_432 : i32
      %mul3A_434 = arith.constant 64 : i32
      %mul3A_435 = arith.muli %sub3A_433, %mul3A_434 : i32
      %add3A_436 = arith.addi %mul3A_2, %mul3A_435 : i32
      %dma_start3A_437 = arith.constant 0 : i32
      %dma_start3A_438 = arith.constant 0 : i32
      %dma_start3A_439 = arith.constant 0 : i32
      %dma_start3A_440 = arith.constant 0 : i32
      %dma_start3A_441 = tpu.memref_slice %arg6[%dma_start3A_437, %dma_start3A_439, %dma_start3A_440] : memref<4x64x128xf32, #tpu.memory_space<vmem>> -> memref<1x64x128xf32, #tpu.memory_space<vmem>>
      %dma_start3A_442 = tpu.memref_squeeze %dma_start3A_441 : memref<1x64x128xf32, #tpu.memory_space<vmem>> -> memref<64x128xf32, #tpu.memory_space<vmem>>
      %dma_start3A_443 = arith.constant 0 : i32
      %dma_start3A_444 = tpu.memref_slice %arg4[%add3A_436, %dma_start3A_443] : memref<409600x128xf32, #tpu.memory_space<hbm>> -> memref<64x128xf32, #tpu.memory_space<hbm>>
      %dma_start3A_445 = tpu.memref_slice %arg9[%dma_start3A_438] : memref<4x!tpu.dma_semaphore, #tpu.memory_space<semaphore_mem>> -> memref<1x!tpu.dma_semaphore, #tpu.memory_space<semaphore_mem>>
      %dma_start3A_446 = tpu.memref_squeeze %dma_start3A_445 : memref<1x!tpu.dma_semaphore, #tpu.memory_space<semaphore_mem>> -> memref<!tpu.dma_semaphore, #tpu.memory_space<semaphore_mem>>
      %dma_start3A_447 = arith.constant 0 : i32
      %dma_start3A_448 = tpu.memref_slice %arg4[%add3A_436, %dma_start3A_447] : memref<409600x128xf32, #tpu.memory_space<hbm>> -> memref<64x128xf32, #tpu.memory_space<hbm>>
      %dma_start3A_449 = arith.constant 0 : i32
      %dma_start3A_450 = arith.constant 0 : i32
      %dma_start3A_451 = tpu.memref_slice %arg6[%dma_start3A_437, %dma_start3A_449, %dma_start3A_450] : memref<4x64x128xf32, #tpu.memory_space<vmem>> -> memref<1x64x128xf32, #tpu.memory_space<vmem>>
      %dma_start3A_452 = tpu.memref_squeeze %dma_start3A_451 : memref<1x64x128xf32, #tpu.memory_space<vmem>> -> memref<64x128xf32, #tpu.memory_space<vmem>>
      tpu.enqueue_dma source(%dma_start3A_452 : memref<64x128xf32, #tpu.memory_space<vmem>>) target(%dma_start3A_448 : memref<64x128xf32, #tpu.memory_space<hbm>>) target_semaphore(%dma_start3A_446 : memref<!tpu.dma_semaphore, #tpu.memory_space<semaphore_mem>>)
      %add3A_453 = arith.constant 2 : i32
      %add3A_454 = arith.addi %mul3A_304, %add3A_453 : i32
      %sub3A_455 = arith.constant 4 : i32
      %sub3A_456 = arith.subi %add3A_454, %sub3A_455 : i32
      %mul3A_457 = arith.constant 64 : i32
      %mul3A_458 = arith.muli %sub3A_456, %mul3A_457 : i32
      %add3A_459 = arith.addi %mul3A_2, %mul3A_458 : i32
      %dma_wait3A_460 = arith.constant 2 : i32
      %dma_wait3A_461 = arith.constant 2 : i32
      %dma_wait3A_462 = arith.constant 0 : i32
      %dma_wait3A_463 = arith.constant 0 : i32
      %dma_wait3A_464 = tpu.memref_slice %arg6[%dma_wait3A_460, %dma_wait3A_462, %dma_wait3A_463] : memref<4x64x128xf32, #tpu.memory_space<vmem>> -> memref<1x64x128xf32, #tpu.memory_space<vmem>>
      %dma_wait3A_465 = tpu.memref_squeeze %dma_wait3A_464 : memref<1x64x128xf32, #tpu.memory_space<vmem>> -> memref<64x128xf32, #tpu.memory_space<vmem>>
      %dma_wait3A_466 = arith.constant 0 : i32
      %dma_wait3A_467 = tpu.memref_slice %arg4[%add3A_459, %dma_wait3A_466] : memref<409600x128xf32, #tpu.memory_space<hbm>> -> memref<64x128xf32, #tpu.memory_space<hbm>>
      %dma_wait3A_468 = tpu.memref_slice %arg9[%dma_wait3A_461] : memref<4x!tpu.dma_semaphore, #tpu.memory_space<semaphore_mem>> -> memref<1x!tpu.dma_semaphore, #tpu.memory_space<semaphore_mem>>
      %dma_wait3A_469 = tpu.memref_squeeze %dma_wait3A_468 : memref<1x!tpu.dma_semaphore, #tpu.memory_space<semaphore_mem>> -> memref<!tpu.dma_semaphore, #tpu.memory_space<semaphore_mem>>
      %dma_wait3A_470 = arith.constant 0 : i32
      %dma_wait3A_471 = tpu.memref_slice %arg4[%add3A_459, %dma_wait3A_470] : memref<409600x128xf32, #tpu.memory_space<hbm>> -> memref<64x128xf32, #tpu.memory_space<hbm>>
      %dma_wait3A_472 = arith.constant 0 : i32
      %dma_wait3A_473 = arith.constant 0 : i32
      %dma_wait3A_474 = tpu.memref_slice %arg6[%dma_wait3A_460, %dma_wait3A_472, %dma_wait3A_473] : memref<4x64x128xf32, #tpu.memory_space<vmem>> -> memref<1x64x128xf32, #tpu.memory_space<vmem>>
      %dma_wait3A_475 = tpu.memref_squeeze %dma_wait3A_474 : memref<1x64x128xf32, #tpu.memory_space<vmem>> -> memref<64x128xf32, #tpu.memory_space<vmem>>
      tpu.wait_dma2 semaphore(%dma_wait3A_469 : memref<!tpu.dma_semaphore, #tpu.memory_space<semaphore_mem>>) src(%dma_wait3A_475 : memref<64x128xf32, #tpu.memory_space<vmem>>) dst(%dma_wait3A_471 : memref<64x128xf32, #tpu.memory_space<hbm>>)
      %mul3A_476 = arith.constant 64 : i32
      %mul3A_477 = arith.muli %add3A_454, %mul3A_476 : i32
      %dma_start3A_478 = arith.constant 2 : i32
      %dma_start3A_479 = arith.constant 2 : i32
      %dma_start3A_480 = arith.constant 0 : i32
      %dma_start3A_481 = arith.constant 0 : i32
      %dma_start3A_482 = tpu.memref_slice %arg6[%dma_start3A_478, %dma_start3A_480, %dma_start3A_481] : memref<4x64x128xf32, #tpu.memory_space<vmem>> -> memref<1x64x128xf32, #tpu.memory_space<vmem>>
      %dma_start3A_483 = tpu.memref_squeeze %dma_start3A_482 : memref<1x64x128xf32, #tpu.memory_space<vmem>> -> memref<64x128xf32, #tpu.memory_space<vmem>>
      %dma_start3A_484 = tpu.memref_slice %arg5[%mul3A_477] : memref<12800xi32, #tpu.memory_space<vmem>> -> memref<64xi32, #tpu.memory_space<vmem>>
      %dma_start3A_485 = arith.constant 0 : i32
      %dma_start3A_486 = arith.constant 0 : i32
      %dma_start3A_487 = tpu.memref_slice %arg7[%dma_start3A_485, %dma_start3A_486] : memref<8000x128xf32, #tpu.memory_space<vmem_shared>> -> memref<8000x128xf32, #tpu.memory_space<vmem_shared>>
      %dma_start3A_488 = tpu.memref_slice %arg8[%dma_start3A_479] : memref<4x!tpu.dma_semaphore, #tpu.memory_space<semaphore_mem>> -> memref<1x!tpu.dma_semaphore, #tpu.memory_space<semaphore_mem>>
      %dma_start3A_489 = tpu.memref_squeeze %dma_start3A_488 : memref<1x!tpu.dma_semaphore, #tpu.memory_space<semaphore_mem>> -> memref<!tpu.dma_semaphore, #tpu.memory_space<semaphore_mem>>
      tpu.enqueue_indirect_dma source(%dma_start3A_487 : memref<8000x128xf32, #tpu.memory_space<vmem_shared>>) target(%dma_start3A_483 : memref<64x128xf32, #tpu.memory_space<vmem>>) offsets(%dma_start3A_484 : memref<64xi32, #tpu.memory_space<vmem>>) semaphore(%dma_start3A_489 : memref<!tpu.dma_semaphore, #tpu.memory_space<semaphore_mem>>)
      %sub3A_490 = arith.constant 1 : i32
      %sub3A_491 = arith.subi %add3A_454, %sub3A_490 : i32
      %mul3A_492 = arith.constant 64 : i32
      %mul3A_493 = arith.muli %sub3A_491, %mul3A_492 : i32
      %dma_wait3A_494 = arith.constant 1 : i32
      %dma_wait3A_495 = arith.constant 1 : i32
      %dma_wait3A_496 = arith.constant 0 : i32
      %dma_wait3A_497 = arith.constant 0 : i32
      %dma_wait3A_498 = tpu.memref_slice %arg6[%dma_wait3A_494, %dma_wait3A_496, %dma_wait3A_497] : memref<4x64x128xf32, #tpu.memory_space<vmem>> -> memref<1x64x128xf32, #tpu.memory_space<vmem>>
      %dma_wait3A_499 = tpu.memref_squeeze %dma_wait3A_498 : memref<1x64x128xf32, #tpu.memory_space<vmem>> -> memref<64x128xf32, #tpu.memory_space<vmem>>
      %dma_wait3A_500 = tpu.memref_slice %arg5[%mul3A_493] : memref<12800xi32, #tpu.memory_space<vmem>> -> memref<64xi32, #tpu.memory_space<vmem>>
      %dma_wait3A_501 = arith.constant 0 : i32
      %dma_wait3A_502 = arith.constant 0 : i32
      %dma_wait3A_503 = tpu.memref_slice %arg7[%dma_wait3A_501, %dma_wait3A_502] : memref<8000x128xf32, #tpu.memory_space<vmem_shared>> -> memref<8000x128xf32, #tpu.memory_space<vmem_shared>>
      %dma_wait3A_504 = tpu.memref_slice %arg8[%dma_wait3A_495] : memref<4x!tpu.dma_semaphore, #tpu.memory_space<semaphore_mem>> -> memref<1x!tpu.dma_semaphore, #tpu.memory_space<semaphore_mem>>
      %dma_wait3A_505 = tpu.memref_squeeze %dma_wait3A_504 : memref<1x!tpu.dma_semaphore, #tpu.memory_space<semaphore_mem>> -> memref<!tpu.dma_semaphore, #tpu.memory_space<semaphore_mem>>
      tpu.wait_indirect_dma semaphore(%dma_wait3A_505 : memref<!tpu.dma_semaphore, #tpu.memory_space<semaphore_mem>>) src(%dma_wait3A_503 : memref<8000x128xf32, #tpu.memory_space<vmem_shared>>) dst(%dma_wait3A_499 : memref<64x128xf32, #tpu.memory_space<vmem>>)
      %sub3A_506 = arith.constant 1 : i32
      %sub3A_507 = arith.subi %add3A_454, %sub3A_506 : i32
      %mul3A_508 = arith.constant 64 : i32
      %mul3A_509 = arith.muli %sub3A_507, %mul3A_508 : i32
      %add3A_510 = arith.addi %mul3A_2, %mul3A_509 : i32
      %dma_start3A_511 = arith.constant 1 : i32
      %dma_start3A_512 = arith.constant 1 : i32
      %dma_start3A_513 = arith.constant 0 : i32
      %dma_start3A_514 = arith.constant 0 : i32
      %dma_start3A_515 = tpu.memref_slice %arg6[%dma_start3A_511, %dma_start3A_513, %dma_start3A_514] : memref<4x64x128xf32, #tpu.memory_space<vmem>> -> memref<1x64x128xf32, #tpu.memory_space<vmem>>
      %dma_start3A_516 = tpu.memref_squeeze %dma_start3A_515 : memref<1x64x128xf32, #tpu.memory_space<vmem>> -> memref<64x128xf32, #tpu.memory_space<vmem>>
      %dma_start3A_517 = arith.constant 0 : i32
      %dma_start3A_518 = tpu.memref_slice %arg4[%add3A_510, %dma_start3A_517] : memref<409600x128xf32, #tpu.memory_space<hbm>> -> memref<64x128xf32, #tpu.memory_space<hbm>>
      %dma_start3A_519 = tpu.memref_slice %arg9[%dma_start3A_512] : memref<4x!tpu.dma_semaphore, #tpu.memory_space<semaphore_mem>> -> memref<1x!tpu.dma_semaphore, #tpu.memory_space<semaphore_mem>>
      %dma_start3A_520 = tpu.memref_squeeze %dma_start3A_519 : memref<1x!tpu.dma_semaphore, #tpu.memory_space<semaphore_mem>> -> memref<!tpu.dma_semaphore, #tpu.memory_space<semaphore_mem>>
      %dma_start3A_521 = arith.constant 0 : i32
      %dma_start3A_522 = tpu.memref_slice %arg4[%add3A_510, %dma_start3A_521] : memref<409600x128xf32, #tpu.memory_space<hbm>> -> memref<64x128xf32, #tpu.memory_space<hbm>>
      %dma_start3A_523 = arith.constant 0 : i32
      %dma_start3A_524 = arith.constant 0 : i32
      %dma_start3A_525 = tpu.memref_slice %arg6[%dma_start3A_511, %dma_start3A_523, %dma_start3A_524] : memref<4x64x128xf32, #tpu.memory_space<vmem>> -> memref<1x64x128xf32, #tpu.memory_space<vmem>>
      %dma_start3A_526 = tpu.memref_squeeze %dma_start3A_525 : memref<1x64x128xf32, #tpu.memory_space<vmem>> -> memref<64x128xf32, #tpu.memory_space<vmem>>
      tpu.enqueue_dma source(%dma_start3A_526 : memref<64x128xf32, #tpu.memory_space<vmem>>) target(%dma_start3A_522 : memref<64x128xf32, #tpu.memory_space<hbm>>) target_semaphore(%dma_start3A_520 : memref<!tpu.dma_semaphore, #tpu.memory_space<semaphore_mem>>)
      %add3A_527 = arith.constant 3 : i32
      %add3A_528 = arith.addi %mul3A_304, %add3A_527 : i32
      %sub3A_529 = arith.constant 4 : i32
      %sub3A_530 = arith.subi %add3A_528, %sub3A_529 : i32
      %mul3A_531 = arith.constant 64 : i32
      %mul3A_532 = arith.muli %sub3A_530, %mul3A_531 : i32
      %add3A_533 = arith.addi %mul3A_2, %mul3A_532 : i32
      %dma_wait3A_534 = arith.constant 3 : i32
      %dma_wait3A_535 = arith.constant 3 : i32
      %dma_wait3A_536 = arith.constant 0 : i32
      %dma_wait3A_537 = arith.constant 0 : i32
      %dma_wait3A_538 = tpu.memref_slice %arg6[%dma_wait3A_534, %dma_wait3A_536, %dma_wait3A_537] : memref<4x64x128xf32, #tpu.memory_space<vmem>> -> memref<1x64x128xf32, #tpu.memory_space<vmem>>
      %dma_wait3A_539 = tpu.memref_squeeze %dma_wait3A_538 : memref<1x64x128xf32, #tpu.memory_space<vmem>> -> memref<64x128xf32, #tpu.memory_space<vmem>>
      %dma_wait3A_540 = arith.constant 0 : i32
      %dma_wait3A_541 = tpu.memref_slice %arg4[%add3A_533, %dma_wait3A_540] : memref<409600x128xf32, #tpu.memory_space<hbm>> -> memref<64x128xf32, #tpu.memory_space<hbm>>
      %dma_wait3A_542 = tpu.memref_slice %arg9[%dma_wait3A_535] : memref<4x!tpu.dma_semaphore, #tpu.memory_space<semaphore_mem>> -> memref<1x!tpu.dma_semaphore, #tpu.memory_space<semaphore_mem>>
      %dma_wait3A_543 = tpu.memref_squeeze %dma_wait3A_542 : memref<1x!tpu.dma_semaphore, #tpu.memory_space<semaphore_mem>> -> memref<!tpu.dma_semaphore, #tpu.memory_space<semaphore_mem>>
      %dma_wait3A_544 = arith.constant 0 : i32
      %dma_wait3A_545 = tpu.memref_slice %arg4[%add3A_533, %dma_wait3A_544] : memref<409600x128xf32, #tpu.memory_space<hbm>> -> memref<64x128xf32, #tpu.memory_space<hbm>>
      %dma_wait3A_546 = arith.constant 0 : i32
      %dma_wait3A_547 = arith.constant 0 : i32
      %dma_wait3A_548 = tpu.memref_slice %arg6[%dma_wait3A_534, %dma_wait3A_546, %dma_wait3A_547] : memref<4x64x128xf32, #tpu.memory_space<vmem>> -> memref<1x64x128xf32, #tpu.memory_space<vmem>>
      %dma_wait3A_549 = tpu.memref_squeeze %dma_wait3A_548 : memref<1x64x128xf32, #tpu.memory_space<vmem>> -> memref<64x128xf32, #tpu.memory_space<vmem>>
      tpu.wait_dma2 semaphore(%dma_wait3A_543 : memref<!tpu.dma_semaphore, #tpu.memory_space<semaphore_mem>>) src(%dma_wait3A_549 : memref<64x128xf32, #tpu.memory_space<vmem>>) dst(%dma_wait3A_545 : memref<64x128xf32, #tpu.memory_space<hbm>>)
      %mul3A_550 = arith.constant 64 : i32
      %mul3A_551 = arith.muli %add3A_528, %mul3A_550 : i32
      %dma_start3A_552 = arith.constant 3 : i32
      %dma_start3A_553 = arith.constant 3 : i32
      %dma_start3A_554 = arith.constant 0 : i32
      %dma_start3A_555 = arith.constant 0 : i32
      %dma_start3A_556 = tpu.memref_slice %arg6[%dma_start3A_552, %dma_start3A_554, %dma_start3A_555] : memref<4x64x128xf32, #tpu.memory_space<vmem>> -> memref<1x64x128xf32, #tpu.memory_space<vmem>>
      %dma_start3A_557 = tpu.memref_squeeze %dma_start3A_556 : memref<1x64x128xf32, #tpu.memory_space<vmem>> -> memref<64x128xf32, #tpu.memory_space<vmem>>
      %dma_start3A_558 = tpu.memref_slice %arg5[%mul3A_551] : memref<12800xi32, #tpu.memory_space<vmem>> -> memref<64xi32, #tpu.memory_space<vmem>>
      %dma_start3A_559 = arith.constant 0 : i32
      %dma_start3A_560 = arith.constant 0 : i32
      %dma_start3A_561 = tpu.memref_slice %arg7[%dma_start3A_559, %dma_start3A_560] : memref<8000x128xf32, #tpu.memory_space<vmem_shared>> -> memref<8000x128xf32, #tpu.memory_space<vmem_shared>>
      %dma_start3A_562 = tpu.memref_slice %arg8[%dma_start3A_553] : memref<4x!tpu.dma_semaphore, #tpu.memory_space<semaphore_mem>> -> memref<1x!tpu.dma_semaphore, #tpu.memory_space<semaphore_mem>>
      %dma_start3A_563 = tpu.memref_squeeze %dma_start3A_562 : memref<1x!tpu.dma_semaphore, #tpu.memory_space<semaphore_mem>> -> memref<!tpu.dma_semaphore, #tpu.memory_space<semaphore_mem>>
      tpu.enqueue_indirect_dma source(%dma_start3A_561 : memref<8000x128xf32, #tpu.memory_space<vmem_shared>>) target(%dma_start3A_557 : memref<64x128xf32, #tpu.memory_space<vmem>>) offsets(%dma_start3A_558 : memref<64xi32, #tpu.memory_space<vmem>>) semaphore(%dma_start3A_563 : memref<!tpu.dma_semaphore, #tpu.memory_space<semaphore_mem>>)
      %sub3A_564 = arith.constant 1 : i32
      %sub3A_565 = arith.subi %add3A_528, %sub3A_564 : i32
      %mul3A_566 = arith.constant 64 : i32
      %mul3A_567 = arith.muli %sub3A_565, %mul3A_566 : i32
      %dma_wait3A_568 = arith.constant 2 : i32
      %dma_wait3A_569 = arith.constant 2 : i32
      %dma_wait3A_570 = arith.constant 0 : i32
      %dma_wait3A_571 = arith.constant 0 : i32
      %dma_wait3A_572 = tpu.memref_slice %arg6[%dma_wait3A_568, %dma_wait3A_570, %dma_wait3A_571] : memref<4x64x128xf32, #tpu.memory_space<vmem>> -> memref<1x64x128xf32, #tpu.memory_space<vmem>>
      %dma_wait3A_573 = tpu.memref_squeeze %dma_wait3A_572 : memref<1x64x128xf32, #tpu.memory_space<vmem>> -> memref<64x128xf32, #tpu.memory_space<vmem>>
      %dma_wait3A_574 = tpu.memref_slice %arg5[%mul3A_567] : memref<12800xi32, #tpu.memory_space<vmem>> -> memref<64xi32, #tpu.memory_space<vmem>>
      %dma_wait3A_575 = arith.constant 0 : i32
      %dma_wait3A_576 = arith.constant 0 : i32
      %dma_wait3A_577 = tpu.memref_slice %arg7[%dma_wait3A_575, %dma_wait3A_576] : memref<8000x128xf32, #tpu.memory_space<vmem_shared>> -> memref<8000x128xf32, #tpu.memory_space<vmem_shared>>
      %dma_wait3A_578 = tpu.memref_slice %arg8[%dma_wait3A_569] : memref<4x!tpu.dma_semaphore, #tpu.memory_space<semaphore_mem>> -> memref<1x!tpu.dma_semaphore, #tpu.memory_space<semaphore_mem>>
      %dma_wait3A_579 = tpu.memref_squeeze %dma_wait3A_578 : memref<1x!tpu.dma_semaphore, #tpu.memory_space<semaphore_mem>> -> memref<!tpu.dma_semaphore, #tpu.memory_space<semaphore_mem>>
      tpu.wait_indirect_dma semaphore(%dma_wait3A_579 : memref<!tpu.dma_semaphore, #tpu.memory_space<semaphore_mem>>) src(%dma_wait3A_577 : memref<8000x128xf32, #tpu.memory_space<vmem_shared>>) dst(%dma_wait3A_573 : memref<64x128xf32, #tpu.memory_space<vmem>>)
      %sub3A_580 = arith.constant 1 : i32
      %sub3A_581 = arith.subi %add3A_528, %sub3A_580 : i32
      %mul3A_582 = arith.constant 64 : i32
      %mul3A_583 = arith.muli %sub3A_581, %mul3A_582 : i32
      %add3A_584 = arith.addi %mul3A_2, %mul3A_583 : i32
      %dma_start3A_585 = arith.constant 2 : i32
      %dma_start3A_586 = arith.constant 2 : i32
      %dma_start3A_587 = arith.constant 0 : i32
      %dma_start3A_588 = arith.constant 0 : i32
      %dma_start3A_589 = tpu.memref_slice %arg6[%dma_start3A_585, %dma_start3A_587, %dma_start3A_588] : memref<4x64x128xf32, #tpu.memory_space<vmem>> -> memref<1x64x128xf32, #tpu.memory_space<vmem>>
      %dma_start3A_590 = tpu.memref_squeeze %dma_start3A_589 : memref<1x64x128xf32, #tpu.memory_space<vmem>> -> memref<64x128xf32, #tpu.memory_space<vmem>>
      %dma_start3A_591 = arith.constant 0 : i32
      %dma_start3A_592 = tpu.memref_slice %arg4[%add3A_584, %dma_start3A_591] : memref<409600x128xf32, #tpu.memory_space<hbm>> -> memref<64x128xf32, #tpu.memory_space<hbm>>
      %dma_start3A_593 = tpu.memref_slice %arg9[%dma_start3A_586] : memref<4x!tpu.dma_semaphore, #tpu.memory_space<semaphore_mem>> -> memref<1x!tpu.dma_semaphore, #tpu.memory_space<semaphore_mem>>
      %dma_start3A_594 = tpu.memref_squeeze %dma_start3A_593 : memref<1x!tpu.dma_semaphore, #tpu.memory_space<semaphore_mem>> -> memref<!tpu.dma_semaphore, #tpu.memory_space<semaphore_mem>>
      %dma_start3A_595 = arith.constant 0 : i32
      %dma_start3A_596 = tpu.memref_slice %arg4[%add3A_584, %dma_start3A_595] : memref<409600x128xf32, #tpu.memory_space<hbm>> -> memref<64x128xf32, #tpu.memory_space<hbm>>
      %dma_start3A_597 = arith.constant 0 : i32
      %dma_start3A_598 = arith.constant 0 : i32
      %dma_start3A_599 = tpu.memref_slice %arg6[%dma_start3A_585, %dma_start3A_597, %dma_start3A_598] : memref<4x64x128xf32, #tpu.memory_space<vmem>> -> memref<1x64x128xf32, #tpu.memory_space<vmem>>
      %dma_start3A_600 = tpu.memref_squeeze %dma_start3A_599 : memref<1x64x128xf32, #tpu.memory_space<vmem>> -> memref<64x128xf32, #tpu.memory_space<vmem>>
      tpu.enqueue_dma source(%dma_start3A_600 : memref<64x128xf32, #tpu.memory_space<vmem>>) target(%dma_start3A_596 : memref<64x128xf32, #tpu.memory_space<hbm>>) target_semaphore(%dma_start3A_594 : memref<!tpu.dma_semaphore, #tpu.memory_space<semaphore_mem>>)
    }
    %scan3A_198 = arith.constant 49 : i32
    %dma_wait3A_199 = arith.constant 3 : i32
    %dma_wait3A_200 = arith.constant 3 : i32
    %dma_wait3A_201 = arith.constant 0 : i32
    %dma_wait3A_202 = arith.constant 0 : i32
    %dma_wait3A_203 = tpu.memref_slice %arg6[%dma_wait3A_199, %dma_wait3A_201, %dma_wait3A_202] : memref<4x64x128xf32, #tpu.memory_space<vmem>> -> memref<1x64x128xf32, #tpu.memory_space<vmem>>
    %dma_wait3A_204 = tpu.memref_squeeze %dma_wait3A_203 : memref<1x64x128xf32, #tpu.memory_space<vmem>> -> memref<64x128xf32, #tpu.memory_space<vmem>>
    %dma_wait3A_205 = arith.constant 12736 : i32
    %dma_wait3A_206 = tpu.memref_slice %arg5[%dma_wait3A_205] : memref<12800xi32, #tpu.memory_space<vmem>> -> memref<64xi32, #tpu.memory_space<vmem>>
    %dma_wait3A_207 = arith.constant 0 : i32
    %dma_wait3A_208 = arith.constant 0 : i32
    %dma_wait3A_209 = tpu.memref_slice %arg7[%dma_wait3A_207, %dma_wait3A_208] : memref<8000x128xf32, #tpu.memory_space<vmem_shared>> -> memref<8000x128xf32, #tpu.memory_space<vmem_shared>>
    %dma_wait3A_210 = tpu.memref_slice %arg8[%dma_wait3A_200] : memref<4x!tpu.dma_semaphore, #tpu.memory_space<semaphore_mem>> -> memref<1x!tpu.dma_semaphore, #tpu.memory_space<semaphore_mem>>
    %dma_wait3A_211 = tpu.memref_squeeze %dma_wait3A_210 : memref<1x!tpu.dma_semaphore, #tpu.memory_space<semaphore_mem>> -> memref<!tpu.dma_semaphore, #tpu.memory_space<semaphore_mem>>
    tpu.wait_indirect_dma semaphore(%dma_wait3A_211 : memref<!tpu.dma_semaphore, #tpu.memory_space<semaphore_mem>>) src(%dma_wait3A_209 : memref<8000x128xf32, #tpu.memory_space<vmem_shared>>) dst(%dma_wait3A_204 : memref<64x128xf32, #tpu.memory_space<vmem>>)
    %add3A_212 = arith.constant 12736 : i32
    %add3A_213 = arith.addi %mul3A_2, %add3A_212 : i32
    %dma_start3A_214 = arith.constant 3 : i32
    %dma_start3A_215 = arith.constant 3 : i32
    %dma_start3A_216 = arith.constant 0 : i32
    %dma_start3A_217 = arith.constant 0 : i32
    %dma_start3A_218 = tpu.memref_slice %arg6[%dma_start3A_214, %dma_start3A_216, %dma_start3A_217] : memref<4x64x128xf32, #tpu.memory_space<vmem>> -> memref<1x64x128xf32, #tpu.memory_space<vmem>>
    %dma_start3A_219 = tpu.memref_squeeze %dma_start3A_218 : memref<1x64x128xf32, #tpu.memory_space<vmem>> -> memref<64x128xf32, #tpu.memory_space<vmem>>
    %dma_start3A_220 = arith.constant 0 : i32
    %dma_start3A_221 = tpu.memref_slice %arg4[%add3A_213, %dma_start3A_220] : memref<409600x128xf32, #tpu.memory_space<hbm>> -> memref<64x128xf32, #tpu.memory_space<hbm>>
    %dma_start3A_222 = tpu.memref_slice %arg9[%dma_start3A_215] : memref<4x!tpu.dma_semaphore, #tpu.memory_space<semaphore_mem>> -> memref<1x!tpu.dma_semaphore, #tpu.memory_space<semaphore_mem>>
    %dma_start3A_223 = tpu.memref_squeeze %dma_start3A_222 : memref<1x!tpu.dma_semaphore, #tpu.memory_space<semaphore_mem>> -> memref<!tpu.dma_semaphore, #tpu.memory_space<semaphore_mem>>
    %dma_start3A_224 = arith.constant 0 : i32
    %dma_start3A_225 = tpu.memref_slice %arg4[%add3A_213, %dma_start3A_224] : memref<409600x128xf32, #tpu.memory_space<hbm>> -> memref<64x128xf32, #tpu.memory_space<hbm>>
    %dma_start3A_226 = arith.constant 0 : i32
    %dma_start3A_227 = arith.constant 0 : i32
    %dma_start3A_228 = tpu.memref_slice %arg6[%dma_start3A_214, %dma_start3A_226, %dma_start3A_227] : memref<4x64x128xf32, #tpu.memory_space<vmem>> -> memref<1x64x128xf32, #tpu.memory_space<vmem>>
    %dma_start3A_229 = tpu.memref_squeeze %dma_start3A_228 : memref<1x64x128xf32, #tpu.memory_space<vmem>> -> memref<64x128xf32, #tpu.memory_space<vmem>>
    tpu.enqueue_dma source(%dma_start3A_229 : memref<64x128xf32, #tpu.memory_space<vmem>>) target(%dma_start3A_225 : memref<64x128xf32, #tpu.memory_space<hbm>>) target_semaphore(%dma_start3A_223 : memref<!tpu.dma_semaphore, #tpu.memory_space<semaphore_mem>>)
    %add3A_230 = arith.constant 12544 : i32
    %add3A_231 = arith.addi %mul3A_2, %add3A_230 : i32
    %dma_wait3A_232 = arith.constant 0 : i32
    %dma_wait3A_233 = arith.constant 0 : i32
    %dma_wait3A_234 = arith.constant 0 : i32
    %dma_wait3A_235 = arith.constant 0 : i32
    %dma_wait3A_236 = tpu.memref_slice %arg6[%dma_wait3A_232, %dma_wait3A_234, %dma_wait3A_235] : memref<4x64x128xf32, #tpu.memory_space<vmem>> -> memref<1x64x128xf32, #tpu.memory_space<vmem>>
    %dma_wait3A_237 = tpu.memref_squeeze %dma_wait3A_236 : memref<1x64x128xf32, #tpu.memory_space<vmem>> -> memref<64x128xf32, #tpu.memory_space<vmem>>
    %dma_wait3A_238 = arith.constant 0 : i32
    %dma_wait3A_239 = tpu.memref_slice %arg4[%add3A_231, %dma_wait3A_238] : memref<409600x128xf32, #tpu.memory_space<hbm>> -> memref<64x128xf32, #tpu.memory_space<hbm>>
    %dma_wait3A_240 = tpu.memref_slice %arg9[%dma_wait3A_233] : memref<4x!tpu.dma_semaphore, #tpu.memory_space<semaphore_mem>> -> memref<1x!tpu.dma_semaphore, #tpu.memory_space<semaphore_mem>>
    %dma_wait3A_241 = tpu.memref_squeeze %dma_wait3A_240 : memref<1x!tpu.dma_semaphore, #tpu.memory_space<semaphore_mem>> -> memref<!tpu.dma_semaphore, #tpu.memory_space<semaphore_mem>>
    %dma_wait3A_242 = arith.constant 0 : i32
    %dma_wait3A_243 = tpu.memref_slice %arg4[%add3A_231, %dma_wait3A_242] : memref<409600x128xf32, #tpu.memory_space<hbm>> -> memref<64x128xf32, #tpu.memory_space<hbm>>
    %dma_wait3A_244 = arith.constant 0 : i32
    %dma_wait3A_245 = arith.constant 0 : i32
    %dma_wait3A_246 = tpu.memref_slice %arg6[%dma_wait3A_232, %dma_wait3A_244, %dma_wait3A_245] : memref<4x64x128xf32, #tpu.memory_space<vmem>> -> memref<1x64x128xf32, #tpu.memory_space<vmem>>
    %dma_wait3A_247 = tpu.memref_squeeze %dma_wait3A_246 : memref<1x64x128xf32, #tpu.memory_space<vmem>> -> memref<64x128xf32, #tpu.memory_space<vmem>>
    tpu.wait_dma2 semaphore(%dma_wait3A_241 : memref<!tpu.dma_semaphore, #tpu.memory_space<semaphore_mem>>) src(%dma_wait3A_247 : memref<64x128xf32, #tpu.memory_space<vmem>>) dst(%dma_wait3A_243 : memref<64x128xf32, #tpu.memory_space<hbm>>)
    %add3A_248 = arith.constant 12608 : i32
    %add3A_249 = arith.addi %mul3A_2, %add3A_248 : i32
    %dma_wait3A_250 = arith.constant 1 : i32
    %dma_wait3A_251 = arith.constant 1 : i32
    %dma_wait3A_252 = arith.constant 0 : i32
    %dma_wait3A_253 = arith.constant 0 : i32
    %dma_wait3A_254 = tpu.memref_slice %arg6[%dma_wait3A_250, %dma_wait3A_252, %dma_wait3A_253] : memref<4x64x128xf32, #tpu.memory_space<vmem>> -> memref<1x64x128xf32, #tpu.memory_space<vmem>>
    %dma_wait3A_255 = tpu.memref_squeeze %dma_wait3A_254 : memref<1x64x128xf32, #tpu.memory_space<vmem>> -> memref<64x128xf32, #tpu.memory_space<vmem>>
    %dma_wait3A_256 = arith.constant 0 : i32
    %dma_wait3A_257 = tpu.memref_slice %arg4[%add3A_249, %dma_wait3A_256] : memref<409600x128xf32, #tpu.memory_space<hbm>> -> memref<64x128xf32, #tpu.memory_space<hbm>>
    %dma_wait3A_258 = tpu.memref_slice %arg9[%dma_wait3A_251] : memref<4x!tpu.dma_semaphore, #tpu.memory_space<semaphore_mem>> -> memref<1x!tpu.dma_semaphore, #tpu.memory_space<semaphore_mem>>
    %dma_wait3A_259 = tpu.memref_squeeze %dma_wait3A_258 : memref<1x!tpu.dma_semaphore, #tpu.memory_space<semaphore_mem>> -> memref<!tpu.dma_semaphore, #tpu.memory_space<semaphore_mem>>
    %dma_wait3A_260 = arith.constant 0 : i32
    %dma_wait3A_261 = tpu.memref_slice %arg4[%add3A_249, %dma_wait3A_260] : memref<409600x128xf32, #tpu.memory_space<hbm>> -> memref<64x128xf32, #tpu.memory_space<hbm>>
    %dma_wait3A_262 = arith.constant 0 : i32
    %dma_wait3A_263 = arith.constant 0 : i32
    %dma_wait3A_264 = tpu.memref_slice %arg6[%dma_wait3A_250, %dma_wait3A_262, %dma_wait3A_263] : memref<4x64x128xf32, #tpu.memory_space<vmem>> -> memref<1x64x128xf32, #tpu.memory_space<vmem>>
    %dma_wait3A_265 = tpu.memref_squeeze %dma_wait3A_264 : memref<1x64x128xf32, #tpu.memory_space<vmem>> -> memref<64x128xf32, #tpu.memory_space<vmem>>
    tpu.wait_dma2 semaphore(%dma_wait3A_259 : memref<!tpu.dma_semaphore, #tpu.memory_space<semaphore_mem>>) src(%dma_wait3A_265 : memref<64x128xf32, #tpu.memory_space<vmem>>) dst(%dma_wait3A_261 : memref<64x128xf32, #tpu.memory_space<hbm>>)
    %add3A_266 = arith.constant 12672 : i32
    %add3A_267 = arith.addi %mul3A_2, %add3A_266 : i32
    %dma_wait3A_268 = arith.constant 2 : i32
    %dma_wait3A_269 = arith.constant 2 : i32
    %dma_wait3A_270 = arith.constant 0 : i32
    %dma_wait3A_271 = arith.constant 0 : i32
    %dma_wait3A_272 = tpu.memref_slice %arg6[%dma_wait3A_268, %dma_wait3A_270, %dma_wait3A_271] : memref<4x64x128xf32, #tpu.memory_space<vmem>> -> memref<1x64x128xf32, #tpu.memory_space<vmem>>
    %dma_wait3A_273 = tpu.memref_squeeze %dma_wait3A_272 : memref<1x64x128xf32, #tpu.memory_space<vmem>> -> memref<64x128xf32, #tpu.memory_space<vmem>>
    %dma_wait3A_274 = arith.constant 0 : i32
    %dma_wait3A_275 = tpu.memref_slice %arg4[%add3A_267, %dma_wait3A_274] : memref<409600x128xf32, #tpu.memory_space<hbm>> -> memref<64x128xf32, #tpu.memory_space<hbm>>
    %dma_wait3A_276 = tpu.memref_slice %arg9[%dma_wait3A_269] : memref<4x!tpu.dma_semaphore, #tpu.memory_space<semaphore_mem>> -> memref<1x!tpu.dma_semaphore, #tpu.memory_space<semaphore_mem>>
    %dma_wait3A_277 = tpu.memref_squeeze %dma_wait3A_276 : memref<1x!tpu.dma_semaphore, #tpu.memory_space<semaphore_mem>> -> memref<!tpu.dma_semaphore, #tpu.memory_space<semaphore_mem>>
    %dma_wait3A_278 = arith.constant 0 : i32
    %dma_wait3A_279 = tpu.memref_slice %arg4[%add3A_267, %dma_wait3A_278] : memref<409600x128xf32, #tpu.memory_space<hbm>> -> memref<64x128xf32, #tpu.memory_space<hbm>>
    %dma_wait3A_280 = arith.constant 0 : i32
    %dma_wait3A_281 = arith.constant 0 : i32
    %dma_wait3A_282 = tpu.memref_slice %arg6[%dma_wait3A_268, %dma_wait3A_280, %dma_wait3A_281] : memref<4x64x128xf32, #tpu.memory_space<vmem>> -> memref<1x64x128xf32, #tpu.memory_space<vmem>>
    %dma_wait3A_283 = tpu.memref_squeeze %dma_wait3A_282 : memref<1x64x128xf32, #tpu.memory_space<vmem>> -> memref<64x128xf32, #tpu.memory_space<vmem>>
    tpu.wait_dma2 semaphore(%dma_wait3A_277 : memref<!tpu.dma_semaphore, #tpu.memory_space<semaphore_mem>>) src(%dma_wait3A_283 : memref<64x128xf32, #tpu.memory_space<vmem>>) dst(%dma_wait3A_279 : memref<64x128xf32, #tpu.memory_space<hbm>>)
    %add3A_284 = arith.constant 12736 : i32
    %add3A_285 = arith.addi %mul3A_2, %add3A_284 : i32
    %dma_wait3A_286 = arith.constant 3 : i32
    %dma_wait3A_287 = arith.constant 3 : i32
    %dma_wait3A_288 = arith.constant 0 : i32
    %dma_wait3A_289 = arith.constant 0 : i32
    %dma_wait3A_290 = tpu.memref_slice %arg6[%dma_wait3A_286, %dma_wait3A_288, %dma_wait3A_289] : memref<4x64x128xf32, #tpu.memory_space<vmem>> -> memref<1x64x128xf32, #tpu.memory_space<vmem>>
    %dma_wait3A_291 = tpu.memref_squeeze %dma_wait3A_290 : memref<1x64x128xf32, #tpu.memory_space<vmem>> -> memref<64x128xf32, #tpu.memory_space<vmem>>
    %dma_wait3A_292 = arith.constant 0 : i32
    %dma_wait3A_293 = tpu.memref_slice %arg4[%add3A_285, %dma_wait3A_292] : memref<409600x128xf32, #tpu.memory_space<hbm>> -> memref<64x128xf32, #tpu.memory_space<hbm>>
    %dma_wait3A_294 = tpu.memref_slice %arg9[%dma_wait3A_287] : memref<4x!tpu.dma_semaphore, #tpu.memory_space<semaphore_mem>> -> memref<1x!tpu.dma_semaphore, #tpu.memory_space<semaphore_mem>>
    %dma_wait3A_295 = tpu.memref_squeeze %dma_wait3A_294 : memref<1x!tpu.dma_semaphore, #tpu.memory_space<semaphore_mem>> -> memref<!tpu.dma_semaphore, #tpu.memory_space<semaphore_mem>>
    %dma_wait3A_296 = arith.constant 0 : i32
    %dma_wait3A_297 = tpu.memref_slice %arg4[%add3A_285, %dma_wait3A_296] : memref<409600x128xf32, #tpu.memory_space<hbm>> -> memref<64x128xf32, #tpu.memory_space<hbm>>
    %dma_wait3A_298 = arith.constant 0 : i32
    %dma_wait3A_299 = arith.constant 0 : i32
    %dma_wait3A_300 = tpu.memref_slice %arg6[%dma_wait3A_286, %dma_wait3A_298, %dma_wait3A_299] : memref<4x64x128xf32, #tpu.memory_space<vmem>> -> memref<1x64x128xf32, #tpu.memory_space<vmem>>
    %dma_wait3A_301 = tpu.memref_squeeze %dma_wait3A_300 : memref<1x64x128xf32, #tpu.memory_space<vmem>> -> memref<64x128xf32, #tpu.memory_space<vmem>>
    tpu.wait_dma2 semaphore(%dma_wait3A_295 : memref<!tpu.dma_semaphore, #tpu.memory_space<semaphore_mem>>) src(%dma_wait3A_301 : memref<64x128xf32, #tpu.memory_space<vmem>>) dst(%dma_wait3A_297 : memref<64x128xf32, #tpu.memory_space<hbm>>)
    return
  }
}

module attributes {stable_mosaic.version = 14 : i64} {
  func.func @_prep_body(%arg0: memref<1000x128xf32, #tpu.memory_space<vmem>>, %arg1: memref<8000x128xf32, #tpu.memory_space<vmem>>, %arg2: memref<8000x128xf32, #tpu.memory_space<vmem>>) attributes {dimension_semantics = [], scalar_prefetch = 0 : i64, scratch_operands = 0 : i64, tpu.core_type = #tpu.core_type<tc>} {
    %get3A = arith.constant 0 : index
    %get3A_0 = arith.constant 0 : index
    %get3A_1 = vector.load %arg0[%get3A, %get3A_0] : memref<1000x128xf32, #tpu.memory_space<vmem>>, vector<1000x128xf32>
    %get3A_2 = arith.constant 0 : index
    %get3A_3 = arith.constant 0 : index
    %get3A_4 = vector.load %arg1[%get3A_2, %get3A_3] : memref<8000x128xf32, #tpu.memory_space<vmem>>, vector<1000x128xf32>
    %add3A = arith.addf %get3A_1, %get3A_4 : vector<1000x128xf32>
    %swap3A = arith.constant 0 : index
    %swap3A_5 = arith.constant 0 : index
    %swap3A_6 = vector.load %arg2[%swap3A, %swap3A_5] : memref<8000x128xf32, #tpu.memory_space<vmem>>, vector<1000x128xf32>
    tpu.vector_store %arg2[%swap3A, %swap3A_5], %add3A {strides = array<i32>} : memref<8000x128xf32, #tpu.memory_space<vmem>>, vector<1000x128xf32>,
    %get3A_7 = arith.constant 1000 : index
    %get3A_8 = arith.constant 0 : index
    %get3A_9 = vector.load %arg1[%get3A_7, %get3A_8] : memref<8000x128xf32, #tpu.memory_space<vmem>>, vector<1000x128xf32>
    %add3A_10 = arith.addf %get3A_1, %get3A_9 : vector<1000x128xf32>
    %swap3A_11 = arith.constant 1000 : index
    %swap3A_12 = arith.constant 0 : index
    %swap3A_13 = vector.load %arg2[%swap3A_11, %swap3A_12] : memref<8000x128xf32, #tpu.memory_space<vmem>>, vector<1000x128xf32>
    tpu.vector_store %arg2[%swap3A_11, %swap3A_12], %add3A_10 {strides = array<i32>} : memref<8000x128xf32, #tpu.memory_space<vmem>>, vector<1000x128xf32>,
    %get3A_14 = arith.constant 2000 : index
    %get3A_15 = arith.constant 0 : index
    %get3A_16 = vector.load %arg1[%get3A_14, %get3A_15] : memref<8000x128xf32, #tpu.memory_space<vmem>>, vector<1000x128xf32>
    %add3A_17 = arith.addf %get3A_1, %get3A_16 : vector<1000x128xf32>
    %swap3A_18 = arith.constant 2000 : index
    %swap3A_19 = arith.constant 0 : index
    %swap3A_20 = vector.load %arg2[%swap3A_18, %swap3A_19] : memref<8000x128xf32, #tpu.memory_space<vmem>>, vector<1000x128xf32>
    tpu.vector_store %arg2[%swap3A_18, %swap3A_19], %add3A_17 {strides = array<i32>} : memref<8000x128xf32, #tpu.memory_space<vmem>>, vector<1000x128xf32>,
    %get3A_21 = arith.constant 3000 : index
    %get3A_22 = arith.constant 0 : index
    %get3A_23 = vector.load %arg1[%get3A_21, %get3A_22] : memref<8000x128xf32, #tpu.memory_space<vmem>>, vector<1000x128xf32>
    %add3A_24 = arith.addf %get3A_1, %get3A_23 : vector<1000x128xf32>
    %swap3A_25 = arith.constant 3000 : index
    %swap3A_26 = arith.constant 0 : index
    %swap3A_27 = vector.load %arg2[%swap3A_25, %swap3A_26] : memref<8000x128xf32, #tpu.memory_space<vmem>>, vector<1000x128xf32>
    tpu.vector_store %arg2[%swap3A_25, %swap3A_26], %add3A_24 {strides = array<i32>} : memref<8000x128xf32, #tpu.memory_space<vmem>>, vector<1000x128xf32>,
    %get3A_28 = arith.constant 4000 : index
    %get3A_29 = arith.constant 0 : index
    %get3A_30 = vector.load %arg1[%get3A_28, %get3A_29] : memref<8000x128xf32, #tpu.memory_space<vmem>>, vector<1000x128xf32>
    %add3A_31 = arith.addf %get3A_1, %get3A_30 : vector<1000x128xf32>
    %swap3A_32 = arith.constant 4000 : index
    %swap3A_33 = arith.constant 0 : index
    %swap3A_34 = vector.load %arg2[%swap3A_32, %swap3A_33] : memref<8000x128xf32, #tpu.memory_space<vmem>>, vector<1000x128xf32>
    tpu.vector_store %arg2[%swap3A_32, %swap3A_33], %add3A_31 {strides = array<i32>} : memref<8000x128xf32, #tpu.memory_space<vmem>>, vector<1000x128xf32>,
    %get3A_35 = arith.constant 5000 : index
    %get3A_36 = arith.constant 0 : index
    %get3A_37 = vector.load %arg1[%get3A_35, %get3A_36] : memref<8000x128xf32, #tpu.memory_space<vmem>>, vector<1000x128xf32>
    %add3A_38 = arith.addf %get3A_1, %get3A_37 : vector<1000x128xf32>
    %swap3A_39 = arith.constant 5000 : index
    %swap3A_40 = arith.constant 0 : index
    %swap3A_41 = vector.load %arg2[%swap3A_39, %swap3A_40] : memref<8000x128xf32, #tpu.memory_space<vmem>>, vector<1000x128xf32>
    tpu.vector_store %arg2[%swap3A_39, %swap3A_40], %add3A_38 {strides = array<i32>} : memref<8000x128xf32, #tpu.memory_space<vmem>>, vector<1000x128xf32>,
    %get3A_42 = arith.constant 6000 : index
    %get3A_43 = arith.constant 0 : index
    %get3A_44 = vector.load %arg1[%get3A_42, %get3A_43] : memref<8000x128xf32, #tpu.memory_space<vmem>>, vector<1000x128xf32>
    %add3A_45 = arith.addf %get3A_1, %get3A_44 : vector<1000x128xf32>
    %swap3A_46 = arith.constant 6000 : index
    %swap3A_47 = arith.constant 0 : index
    %swap3A_48 = vector.load %arg2[%swap3A_46, %swap3A_47] : memref<8000x128xf32, #tpu.memory_space<vmem>>, vector<1000x128xf32>
    tpu.vector_store %arg2[%swap3A_46, %swap3A_47], %add3A_45 {strides = array<i32>} : memref<8000x128xf32, #tpu.memory_space<vmem>>, vector<1000x128xf32>,
    %get3A_49 = arith.constant 7000 : index
    %get3A_50 = arith.constant 0 : index
    %get3A_51 = vector.load %arg1[%get3A_49, %get3A_50] : memref<8000x128xf32, #tpu.memory_space<vmem>>, vector<1000x128xf32>
    %add3A_52 = arith.addf %get3A_1, %get3A_51 : vector<1000x128xf32>
    %swap3A_53 = arith.constant 7000 : index
    %swap3A_54 = arith.constant 0 : index
    %swap3A_55 = vector.load %arg2[%swap3A_53, %swap3A_54] : memref<8000x128xf32, #tpu.memory_space<vmem>>, vector<1000x128xf32>
    tpu.vector_store %arg2[%swap3A_53, %swap3A_54], %add3A_52 {strides = array<i32>} : memref<8000x128xf32, #tpu.memory_space<vmem>>, vector<1000x128xf32>,
    return
  }
}

</mosaic_0001>

<sc_bundles>
// kernel: kernel.4.cloned.1.call-start
scs
__scs_entry_jumppad:
0x0: {  	(pc) =	sbr.rel $0x88, $3  }
0x1: {  	(tag) =	ssettag $0x0;
	lr =	simm.s32 $0x1  }
0x2: {  	[smem:$0x3F9F] =	sst lr;
	_ =	strace $0xD0000000  }
0x3: {  	_ = 	snop  }
0x4: {  	_ = 	snop  }
0x5: {  	_ = 	snop  }
0x6: {  	_ = 	snop  }
0x7: {  	_ = 	snop  }
__scs_overlays_trampoline_lowered:
0x8: {  	[smem:$0x3FAE] =	sst s0  }
0x9: {  	[smem:$0x3FAF] =	sst s1  }
0xa: {  	[smem:$0x3FB0] =	sst s2  }
0xb: {  	[smem:$0x3FB1] =	sst s3  }
0xc: {  	[smem:$0x3FB2] =	sst s4  }
0xd: {  	[smem:$0x3FB3] =	sst s5  }
0xe: {  	[smem:$0x3FB4] =	sst s6  }
0xf: {  	[smem:$0x3FB5] =	sst s7  }
0x10: {  	[smem:$0x3FB6] =	sst s8  }
0x11: {  	[smem:$0x3FB7] =	sst s9;
	s0 =	simm.s32 @!p0 $0x0  }
0x12: {  	s1 =	sld [smem:$0x3F9D];
	s0 =	simm.s32 @p0 $0x1  }
0x13: {  	[smem:$0x3FB8] =	sst s0;
	s0 =	simm.s32 @!p1 $0x0  }
0x14: {  	s2 =	sld [smem:$0x3F9C];
	s0 =	simm.s32 @p1 $0x1  }
0x15: {  	[smem:$0x3FB9] =	sst s0;
	s0 =	simm.s32 @!p2 $0x0  }
0x16: {  	s3 =	sld [smem:$0x3FDB];
	s0 =	simm.s32 @p2 $0x1  }
0x17: {  	s4 =	simm.s32 $0x1BF5;
	[smem:$0x3FBB] =	sst s0  }
0x18: {  	s0 =	sld [smem:$0x3F9E];
	_ =	swait.ge [sflag:s4], $0x0  }
0x19: {  	s7 =	sld [smem:$0x3F9F]  }
0x1a: {  	s8 =	sadd.s32 $0xFFFFE003, lr  }
0x1b: {  	s9 =	sadd.s32 $0xFFFFFEF7, lr;
	s5 =	simm.s32 $0xFFFFFFFF;
	p2 =	slt.u32 s8, $0xFFFFF086  }
0x1c: {  	p1 =	slt.u32 s9, $0xF7A;
	s5 =	simm.s32 @!p2 $0x0  }
0x1d: {  	s5 =	simm.s32 @p1 $0x1;
	p0 =	seq.s32 s7, s2  }
0x1e: {  	s7 =	smul.u32 @!p0 $0xF7A, s2;
	p2 =	seq.s32 @!p0 s5, $0x0  }
0x1f: {  	s9 =	smul.u32 $0xF7A, s1;
	s8 =	simm.s32 @!p0 $0x1BF5;
	p2 =	por !p2, p0  }
0x20: {  	[sflag:s8] =	ssyncset.s32 @!p0 $0xFFFFF086;
	s6 =	sadd.s32 @!p0 s3, s7;
	s7 =	simm.s32 @!p0 $0x108  }
0x21: {  	s3 =	sadd.s32 s3, s9;
	s6 =	sadd.s32 @!p0 $0x88, s6;
	s7 =	simm.s32 @p2 $0x1082  }
0x22: {  	[simem:s7], [sflag:s8] =	dma.local @!p0 [hbm:s6], $0xF7A  }
0x23: {  	s9 =	sor.u32 $0xD0000000, s2;
	s6 =	simm.s32 $0x108;
	_ =	swait.ge @!p0 [sflag:s8], $0x0  }
0x24: {  	s3 =	sadd.s32 $0x88, s3;
	s6 =	simm.s32 @!p1 $0x1082;
	[sflag:s4] =	ssyncset.s32 $0xFFFFF086  }
0x25: {  	[simem:s6], [sflag:s4] =	dma.local [hbm:s3], $0xF7A  }
0x26: {  	[smem:$0x3F9F] =	sst s1;
	(tag) =	ssettag s2;
	_ =	strace s9  }
0x27: {  	s1 =	sld [smem:$0x3FAF]  }
0x28: {  	s2 =	sld [smem:$0x3FB0]  }
0x29: {  	s4 =	sld [smem:$0x3FB2]  }
0x2a: {  	p0 =	seq.s32 s5, $0x0;
	s5 =	sld [smem:$0x3FB3]  }
0x2b: {  	s6 =	sld [smem:$0x3FB4]  }
0x2c: {  	s7 =	sld [smem:$0x3FB5]  }
0x2d: {  	s3 =	simm.s32 $0x108;
	s8 =	sld [smem:$0x3FB6]  }
0x2e: {  	s3 =	simm.s32 @!p0 $0x1082;
	s9 =	sld [smem:$0x3FB7]  }
0x2f: {  	lr =	sadd.s32 s0, s3;
	s0 =	sld [smem:$0x3FAE]  }
0x30: {  	s3 =	sld [smem:$0x3FB1]  }
0x31: {  	[smem:$0x3FBA] =	sst s10  }
0x32: {  	s10 =	sld [smem:$0x3FB8];
	_ =	sdelay $0x3  }
0x33: {  	p0 =	seq.s32 s10, $0x1;
	s10 =	sld [smem:$0x3FBA];
	_ =	sdelay $0x3  }
0x34: {  	[smem:$0x3FBA] =	sst s10  }
0x35: {  	s10 =	sld [smem:$0x3FB9];
	_ =	sdelay $0x3  }
0x36: {  	p1 =	seq.s32 s10, $0x1;
	s10 =	sld [smem:$0x3FBA];
	_ =	sdelay $0x3  }
0x37: {  	[smem:$0x3FBA] =	sst s10  }
0x38: {  	s10 =	sld [smem:$0x3FBB]  }
0x39: {  	_ = 	snop;
	(pc) =	sbr.ind lr, $3  }
0x3a: {  	_ = 	snop  }
0x3b: {  	_ = 	snop  }
0x3c: {  	p2 =	seq.s32 s10, $0x1;
	s10 =	sld [smem:$0x3FBA]  }
0x3d: {  	_ =	shalt  }
0x3e: {  	_ =	shalt  }
0x3f: {  	_ =	shalt  }
0x40: {  	_ =	shalt  }
0x41: {  	_ =	shalt  }
0x42: {  	_ =	shalt  }
0x43: {  	_ =	shalt  }
0x44: {  	_ =	shalt  }
0x45: {  	_ =	shalt  }
0x46: {  	_ =	shalt  }
0x47: {  	_ =	shalt  }
0x48: {  	_ =	shalt  }
0x49: {  	_ =	shalt  }
0x4a: {  	_ =	shalt  }
0x4b: {  	_ =	shalt  }
0x4c: {  	_ =	shalt  }
0x4d: {  	_ =	shalt  }
0x4e: {  	_ =	shalt  }
0x4f: {  	_ =	shalt  }
0x50: {  	_ =	shalt  }
0x51: {  	_ =	shalt  }
0x52: {  	_ =	shalt  }
0x53: {  	_ =	shalt  }
0x54: {  	_ =	shalt  }
0x55: {  	_ =	shalt  }
0x56: {  	_ =	shalt  }
0x57: {  	_ =	shalt  }
0x58: {  	_ =	shalt  }
0x59: {  	_ =	shalt  }
0x5a: {  	_ =	shalt  }
0x5b: {  	_ =	shalt  }
0x5c: {  	_ =	shalt  }
0x5d: {  	_ =	shalt  }
0x5e: {  	_ =	shalt  }
0x5f: {  	_ =	shalt  }
0x60: {  	_ =	shalt  }
0x61: {  	_ =	shalt  }
0x62: {  	_ =	shalt  }
0x63: {  	_ =	shalt  }
0x64: {  	_ =	shalt  }
0x65: {  	_ =	shalt  }
0x66: {  	_ =	shalt  }
0x67: {  	_ =	shalt  }
0x68: {  	_ =	shalt  }
0x69: {  	_ =	shalt  }
0x6a: {  	_ =	shalt  }
0x6b: {  	_ =	shalt  }
0x6c: {  	_ =	shalt  }
0x6d: {  	_ =	shalt  }
0x6e: {  	_ =	shalt  }
0x6f: {  	_ =	shalt  }
0x70: {  	_ =	shalt  }
0x71: {  	_ =	shalt  }
0x72: {  	_ =	shalt  }
0x73: {  	_ =	shalt  }
0x74: {  	_ =	shalt  }
0x75: {  	_ =	shalt  }
0x76: {  	_ =	shalt  }
0x77: {  	_ =	shalt  }
0x78: {  	_ =	shalt  }
0x79: {  	_ =	shalt  }
0x7a: {  	_ =	shalt  }
0x7b: {  	_ =	shalt  }
0x7c: {  	_ =	shalt  }
0x7d: {  	_ =	shalt  }
0x7e: {  	_ =	shalt  }
0x7f: {  	_ =	shalt  }
0x80: {  	_ =	shalt  }
0x81: {  	_ =	shalt  }
0x82: {  	_ =	shalt  }
0x83: {  	_ =	shalt  }
0x84: {  	_ =	shalt  }
0x85: {  	_ =	shalt  }
0x86: {  	_ =	shalt  }
0x87: {  	_ =	shalt  }
.Lfunc_end0:
.L_simem_size_0:
called_computation_lowered:
.L_overlay_start_0:
0x88: {  	s2 =	sld [smem:$0x3FD9]  }
0x89: {  	s3 =	sld [smem:$0x3FFE];
	_ =	sdelay $0x1  }
0x8a: {  	s1 =	srdreg.scid  }
0x8b: {  	s0 =	sand.u32 $0x1, s1  }
0x8c: {  	s17 =	sshll.u32 s0, $0xA;
	s2 =	sadd.s32 s3, s2  }
0x8d: {  	s2 =	sadd.s32 s2, s17  }
0x8e: {  	[smem:$0x3FC6] =	sst s2  }
0x8f: {  	_ = 	snop  }
0x90: {  	s2 =	sld [smem:$0x3FD0];
	(tm) =	ssettm $0x1  }
0x91: {  	s18 =	sld [smem:$0x3FFB];
	_ =	sdelay $0x3  }
0x92: {  	_ =	strace s18  }
0x93: {  	s3 =	sld [smem:$0x3FFC];
	_ =	sdelay $0x3  }
0x94: {  	_ =	strace s3  }
0x95: {  	s3 =	sld [smem:$0x3FFD];
	_ =	sdelay $0x3  }
0x96: {  	_ =	strace s3  }
0x97: {  	_ =	strace $0x8FFFFFFF  }
0x98: {  	s19 =	sld [smem:$0x3FDB];
	_ =	sdelay $0x1  }
0x99: {  	s4 =	simm.s32 $_scs_section_size  }
0x9a: {  	s5 =	simm.s32 $_size__tile_overlayer_lowered;
	s6 =	simm.s32 $_tile_overlayer_lowered  }
0x9b: {  	s22 =	simm.s32 $0x1BFF;
	s21 =	sshll.u32 s6, $0x1;
	s3 =	sadd.s32 s4, s19  }
0x9c: {  	s7 =	simm.s32 $0x0;
	s20 =	sshll.u32 s5, $0x1;
	s5 =	sadd.s32 s21, s3  }
0x9d: {  	[timem:s7], [sflag:s22] =	dma.local [hbm:s5], s20  }
0x9e: {  	_ =	swait.ge [sflag:s22], s20  }
0x9f: {  	s4 =	ssub.s32 $0x0, s20;
	[sflag:s22] =	ssyncset.done $0x0  }
0xa0: {  	[sflag:s22] =	ssyncadd.s32 s4;
	_ =	sdelay $0x1  }
0xa1: {  	s23 =	simm.s32 $0x1B8B  }
0xa2: {  	_ =	swait.ge [sflag:s23], $0x1  }
0xa3: {  	[sflag:s23] =	ssyncset.done $0x0  }
0xa4: {  	s25 =	simm.s32 $0x1B8E;
	s24 =	sld [smem:$0x3FFE];
	[sflag:s23] =	ssyncadd.s32 $0xFFFFFFFF  }
0xa5: {  	s26 =	simm.s32 $execute0_lowered;
	[smem:$0x3FD2] =	sst s25  }
0xa6: {  	s5 =	sshll.u32 s26, $0x1;
	_ =	strace $0x80000046;
	[dreg:$0x1] =	wrdreg $0xFFFFFFFF  }
0xa7: {  	s28 =	simm.s32 $_size_execute0_lowered;
	s3 =	sadd.s32 s3, s5;
	[dreg:$0x0] =	wrdreg $0x0  }
0xa8: {  	s5 =	sshll.u32 s28, $0x1;
	[dreg:$0x2] =	wrdreg s3  }
0xa9: {  	[dreg:$0x3] =	wrdreg s5  }
0xaa: {  	[dreg:$0x4] =	wrdreg $0xC0  }
0xab: {  	_ =	task [dreg:s7], $0x5FFFF  }
0xac: {  	[dreg:$0x1] =	wrdreg $0xFFFFFFFF  }
0xad: {  	[dreg:$0x0] =	wrdreg $0x60  }
0xae: {  	[dreg:$0x2] =	wrdreg s24  }
0xaf: {  	[dreg:$0x3] =	wrdreg s2  }
0xb0: {  	[dreg:$0x4] =	wrdreg $0xB2000  }
0xb1: {  	[dreg:$0x5] =	wrdreg $0x9  }
0xb2: {  	_ =	task.clear_ibuf [dreg:s7], $0x6FFFF;
	_ =	strace $0x90000046  }
0xb3: {  	s29 =	simm.s32 $0x9;
	_ =	strace $0x80000048  }
0xb4: {  	_ =	swait.ge [sflag:s29], $0x1  }
0xb5: {  	[sflag:s29] =	ssyncadd.s32 $0xFFFFFFFF  }
0xb6: {  	_ =	strace $0x90000048  }
0xb7: {  	_ =	sfence  }
0xb8: {  	s30 =	sld [smem:$0x0];
	_ =	sdelay $0x2  }
0xb9: {  	s31 =	sshll.u32 s1, $0xD;
	s1 =	sshrl.u32 s1, $0x2  }
0xba: {  	s3 =	sand.u32 $0x4000, s31;
	s1 =	sadd.s32 s1, s30  }
0xbb: {  	s0 =	sor.u32 s3, s0;
	s1 =	sshll.u32 s1, $0x11  }
0xbc: {  	s0 =	sor.u32 s1, s0  }
0xbd: {  	s0 =	sadd.s32 $0x8F2B, s0  }
0xbe: {  	[sflag:s0] =	ssyncadd.remote.s32 $0x1  }
0xbf: {  	_ =	sfence.sel $0xFFFF  }
0xc0: {  	[dreg:$0x0] =	wrdreg $0xFFFFFFFF;
	(pc) =	sbr.abs _section_cstart, $3  }
0xc1: {  	[dreg:$0x1] =	wrdreg $0xFFFFFFFF  }
0xc2: {  	_ =	task.clear_ibuf [dreg:s7], $0x2FFFF;
	_ =	strace $0x9FFFFFFF  }
0xc3: {  	(tm) =	ssettm $0x7FFFFFFF  }
tec
execute0_lowered:
.L_overlay_start_1:
0x0: {  	(tag) =	ssettag $0x1  }
0x1: {  	s0 =	rddreg [dreg:$0x0]  }
0x2: {  	s1 =	rddreg [dreg:$0x1];
	s14 =	stileid.u32  }
0x3: {  	s3 =	srdreg.scid;
	s2 =	rddreg [dreg:$0x2]  }
0x4: {  	s15 =	simm.s32 $0x40;
	s16 =	simm.s32 $0x3200;
	s17 =	simm.s32 $0x5200  }
0x5: {  	s19 =	simm.s32 $0x7200;
	s28 =	simm.s32 $0x6;
	s29 =	simm.s32 $0x7  }
0x6: {  	s30 =	simm.s32 $0x8;
	s31 =	simm.s32 $0x0;
	s4 =	smul.u32 $0x3E80, s14  }
0x7: {  	s9 =	sand.u32 $0x1, s3;
	s21 =	sshll.u32 s14, $0x1;
	s8 =	smul.u32 $0x7D000, s14  }
0x8: {  	s3 =	simm.s32 $0x0;
	s10 =	sshrl.u32 s14, $0x1;
	s24 =	smul.u32 $0x64000, s14  }
0x9: {  	p0 =	sgt.u32 s14, $0x7;
	s6 =	sor.u32 s9, s21;
	s18 =	smul.u32 $0x3E8, s10  }
0xa: {  	[smem:$0x7FF] =	sst s3;
	s7 =	ssub.s32 $0x2, s9;
	s25 =	smul.u32 $0x32000, s9  }
0xb: {  	s21 =	simm.s32 $0x9200;
	s5 =	sand.u32 $0x3, s6;
	s11 =	smul.u32 $0x32000, s6  }
0xc: {  	_ =	strace $0x80000047;
	s4 =	sadd.s32 s4, s0;
	s23 =	smul.u32 $0x190000, s6  }
0xd: {  	s22 =	sshrl.u32 s7, $0x1;
	s8 =	sshrl.u32 s8, $0x2;
	s5 =	smul.u32 $0x640, s5  }
0xe: {  	s12 =	ssub.s32 s7, s22;
	s13 =	sadd.s32 s8, s2;
	s4 =	sadd.s32 $0x2400, s4  }
0xf: {  	s22 =	simm.s32 $0x1;
	s10 =	sshrl.u32 s23, $0x3;
	s13 =	sshrl.u32 @!p0 s13, $0x3  }
0x10: {  	s23 =	simm.s32 $0x2;
	s0 =	sadd.s32 s5, s0;
	s5 =	sadd.s32 s1, s11  }
0x11: {  	s26 =	sadd.s32 s1, s10;
	s10 =	smax.u32 s12, $0x1;
	s6 =	sadd.s32 $0xA00, s0  }
0x12: {  	s7 =	sadd.s32 $0x400, s5;
	s8 =	sadd.s32 $0x800, s5;
	s0 =	sadd.s32 s24, s1  }
0x13: {  	s9 =	sadd.s32 $0x31C00, s26;
	s1 =	sshll.u32 @!p0 s14, $0x6;
	s14 =	simm.s32 $0xA  }
0x14: {  	s24 =	simm.s32 $0x3;
	s26 =	simm.s32 $0x4;
	s0 =	sadd.s32 s25, s0  }
0x15: {  	v0 =	vmov s18;
	s12 =	sor.u32 @!p0 $0x1C09, s1;
	s25 =	simm.s32 $0x5;
	s11 =	sadd.s32 $0xC00, s0  }
.LBB2_1:
0x16: {  	[spmem:s13], [sflag:s12] =	dma.local @!p0 [hbm:s4], $0x3E80  }
0x17: {  	[tilespmem:s3], [sflag:$0xA] =	stream.linear.gather [hbm4b:s6+s3], $0x3200, $0x38;
	[tilespmem:$0x1AC00] =	vst v63  }
0x18: {  	_ =	swait.ge [sflag:s14], $0x3200  }
0x19: {  	[sflag:s14] =	ssyncset.done $0x0  }
0x1a: {  	s0 =	simm.s32 $0x0;
	[sflag:s14] =	ssyncadd.s32 $0xFFFFCE00  }
0x1b: {  	v3 =	vld [tilespmem:s0+$0x0]  }
0x1c: {  	v2 =	vld [tilespmem:s0+$0x10]  }
0x1d: {  	s1 =	simm.s32 $0x100;
	v1 =	vld [tilespmem:s0+$0x20]  }
.LBB2_2:
0x1e: {  	p1 =	sne.s32 s1, $0xC700;
	v4 =	vld [tilespmem:s0+$0x30];
	_ =	sdelay $0x1  }
.Ltmp0:
0x1f: {  	v3 =	vadd.s32 v0, v3;
	(pc) =	sbr.rel @p1 .LBB2_2-.Ltmp0, $4  }
0x20: {  	s18 =	sshra.s32 s1, $0x2;
	[tilespmem:s0+$0x0] =	vst v3;
	v2 =	vadd.s32 v0, v2  }
0x21: {  	v3 =	vld [tilespmem:s18+$0x0];
	[tilespmem:s0+$0x10] =	vst v2;
	v1 =	vadd.s32 v0, v1  }
0x22: {  	v2 =	vld [tilespmem:s18+$0x10];
	[tilespmem:s0+$0x20] =	vst v1;
	v4 =	vadd.s32 v0, v4  }
0x23: {  	s1 =	sadd.s32 $0x100, s1;
	v1 =	vld [tilespmem:s18+$0x20];
	[tilespmem:s0+$0x30] =	vst v4;
	s0 =	smov.u32 s18  }
0x24: {  	v4 =	vld [tilespmem:s0+$0x30];
	_ =	sdelay $0x1  }
0x25: {  	v3 =	vadd.s32 v0, v3  }
0x26: {  	[tilespmem:s0+$0x0] =	vst v3;
	v2 =	vadd.s32 v0, v2  }
0x27: {  	[tilespmem:s0+$0x10] =	vst v2;
	v1 =	vadd.s32 v0, v1  }
0x28: {  	[tilespmem:s0+$0x20] =	vst v1;
	v1 =	vadd.s32 v0, v4  }
0x29: {  	[tilespmem:s0+$0x30] =	vst v1;
	s0 =	simm.s32 @!p0 $0x9  }
0x2a: {  	_ =	swait.ge @!p0 [sflag:s0], $0x3E80  }
0x2b: {  	[sflag:s0] =	ssyncset.done @!p0 $0x0  }
0x2c: {  	[sflag:s0] =	ssyncadd.s32 @!p0 $0xFFFFC180  }
0x2d: {  	s18 =	simm.s32 $0x0;
	[bflag:$0x0] =	sbarrier.arrive $0xFFFF  }
0x2e: {  	[tilespmem:s16], [sflag:$0x1] =	stream.indirect.gather [spmem:s2], $0x80, s18, s15, $0xb8;
	[tilespmem:$0x1AC00] =	vst v63  }
0x2f: {  	_ = 	snop  }
0x30: {  	[tilespmem:s17], [sflag:$0x2] =	stream.indirect.gather [spmem:s2], $0x80, s15, s15, $0xb8;
	[tilespmem:$0x1AC00] =	vst v63  }
0x31: {  	s1 =	simm.s32 $0x80  }
0x32: {  	[tilespmem:s19], [sflag:$0x3] =	stream.indirect.gather [spmem:s2], $0x80, s1, s15, $0xb8;
	[tilespmem:$0x1AC00] =	vst v63  }
0x33: {  	s20 =	simm.s32 $0xC0  }
0x34: {  	[tilespmem:s21], [sflag:$0x4] =	stream.indirect.gather [spmem:s2], $0x80, s20, s15, $0xb8;
	[tilespmem:$0x1AC00] =	vst v63  }
0x35: {  	_ =	swait.ge [sflag:s22], $0x2000  }
0x36: {  	[sflag:s22] =	ssyncset.done $0x0  }
0x37: {  	[sflag:s22] =	ssyncadd.s32 $0xFFFFE000  }
0x38: {  	[hbm4b:s5+s18] =	stream.linear.scatter [tilespmem:s16], [sflag:$0x5], $0x2000, $0x38;
	[tilespmem:$0x1AC00] =	vst v63  }
0x39: {  	_ =	swait.ge [sflag:s23], $0x2000  }
0x3a: {  	[sflag:s23] =	ssyncset.done $0x0  }
0x3b: {  	[sflag:s23] =	ssyncadd.s32 $0xFFFFE000  }
0x3c: {  	[hbm4b:s7+s18] =	stream.linear.scatter [tilespmem:s17], [sflag:$0x6], $0x2000, $0x38;
	[tilespmem:$0x1AC00] =	vst v63  }
0x3d: {  	_ =	swait.ge [sflag:s24], $0x2000  }
0x3e: {  	[sflag:s24] =	ssyncset.done $0x0  }
0x3f: {  	[sflag:s24] =	ssyncadd.s32 $0xFFFFE000  }
0x40: {  	[hbm4b:s8+s18] =	stream.linear.scatter [tilespmem:s19], [sflag:$0x7], $0x2000, $0x38;
	[tilespmem:$0x1AC00] =	vst v63  }
0x41: {  	_ =	swait.ge [sflag:s25], $0x2000  }
0x42: {  	[sflag:s25] =	ssyncset.done $0x0  }
0x43: {  	s1 =	simm.s32 $0x100;
	[sflag:s25] =	ssyncadd.s32 $0xFFFFE000  }
0x44: {  	[tilespmem:s16], [sflag:$0x1] =	stream.indirect.gather [spmem:s2], $0x80, s1, s15, $0xb8;
	[tilespmem:$0x1AC00] =	vst v63  }
0x45: {  	_ =	swait.ge [sflag:s26], $0x2000  }
0x46: {  	[sflag:s26] =	ssyncset.done $0x0  }
0x47: {  	[sflag:s26] =	ssyncadd.s32 $0xFFFFE000  }
0x48: {  	[hbm4b:s11+s3] =	stream.linear.scatter [tilespmem:s21], [sflag:$0x8], $0x2000, $0x38;
	[tilespmem:$0x1AC00] =	vst v63  }
0x49: {  	_ =	swait.ge [sflag:s28], $0x2000  }
0x4a: {  	[sflag:s28] =	ssyncset.done $0x0  }
0x4b: {  	s18 =	simm.s32 $0x140;
	[sflag:s28] =	ssyncadd.s32 $0xFFFFE000  }
0x4c: {  	[tilespmem:s17], [sflag:$0x2] =	stream.indirect.gather [spmem:s2], $0x80, s18, s15, $0xb8;
	[tilespmem:$0x1AC00] =	vst v63  }
0x4d: {  	_ =	swait.ge [sflag:s22], $0x2000  }
0x4e: {  	[sflag:s22] =	ssyncset.done $0x0  }
0x4f: {  	s20 =	sadd.s32 $0x400, s11;
	[sflag:s22] =	ssyncadd.s32 $0xFFFFE000  }
0x50: {  	[hbm4b:s20+s3] =	stream.linear.scatter [tilespmem:s16], [sflag:$0x5], $0x2000, $0x38;
	[tilespmem:$0x1AC00] =	vst v63  }
0x51: {  	_ =	swait.ge [sflag:s29], $0x2000  }
0x52: {  	[sflag:s29] =	ssyncset.done $0x0  }
0x53: {  	s1 =	simm.s32 $0x180;
	[sflag:s29] =	ssyncadd.s32 $0xFFFFE000  }
0x54: {  	[tilespmem:s19], [sflag:$0x3] =	stream.indirect.gather [spmem:s2], $0x80, s1, s15, $0xb8;
	[tilespmem:$0x1AC00] =	vst v63  }
0x55: {  	_ =	swait.ge [sflag:s23], $0x2000  }
0x56: {  	[sflag:s23] =	ssyncset.done $0x0  }
0x57: {  	s18 =	sadd.s32 $0x800, s11;
	[sflag:s23] =	ssyncadd.s32 $0xFFFFE000  }
0x58: {  	[hbm4b:s18+s3] =	stream.linear.scatter [tilespmem:s17], [sflag:$0x6], $0x2000, $0x38;
	[tilespmem:$0x1AC00] =	vst v63  }
0x59: {  	_ =	swait.ge [sflag:s30], $0x2000  }
0x5a: {  	[sflag:s30] =	ssyncset.done $0x0  }
0x5b: {  	s20 =	simm.s32 $0x1C0;
	[sflag:s30] =	ssyncadd.s32 $0xFFFFE000  }
0x5c: {  	[tilespmem:s21], [sflag:$0x4] =	stream.indirect.gather [spmem:s2], $0x80, s20, s15, $0xb8;
	[tilespmem:$0x1AC00] =	vst v63  }
0x5d: {  	_ =	swait.ge [sflag:s24], $0x2000  }
0x5e: {  	s0 =	sadd.s32 $0x1000, s11;
	[sflag:s24] =	ssyncset.done $0x0  }
0x5f: {  	s1 =	simm.s32 $0x400;
	s18 =	sadd.s32 $0xC00, s11;
	[sflag:s24] =	ssyncadd.s32 $0xFFFFE000  }
.LBB2_4:
0x60: {  	[hbm4b:s18+s3] =	stream.linear.scatter [tilespmem:s19], [sflag:$0x7], $0x2000, $0x38;
	[tilespmem:$0x1AC00] =	vst v63  }
0x61: {  	s18 =	smov.u32 s1  }
0x62: {  	p1 =	sne.s32 s1, $0xC000;
	s1 =	sadd.s32 $0x400, s1;
	_ =	swait.ge [sflag:s25], $0x2000  }
0x63: {  	s18 =	sshra.s32 s18, $0x2;
	[sflag:s25] =	ssyncset.done $0x0  }
0x64: {  	s20 =	sadd.s32 $0x100, s18;
	[sflag:s25] =	ssyncadd.s32 $0xFFFFE000  }
0x65: {  	[tilespmem:s16], [sflag:$0x1] =	stream.indirect.gather [spmem:s2], $0x80, s20, s15, $0xb8;
	[tilespmem:$0x1AC00] =	vst v63  }
0x66: {  	_ =	swait.ge [sflag:s26], $0x2000  }
0x67: {  	[sflag:s26] =	ssyncset.done $0x0  }
0x68: {  	[sflag:s26] =	ssyncadd.s32 $0xFFFFE000  }
0x69: {  	[hbm4b:s0+s3] =	stream.linear.scatter [tilespmem:s21], [sflag:$0x8], $0x2000, $0x38;
	[tilespmem:$0x1AC00] =	vst v63  }
0x6a: {  	_ =	swait.ge [sflag:s28], $0x2000  }
0x6b: {  	[sflag:s28] =	ssyncset.done $0x0  }
0x6c: {  	s20 =	sadd.s32 $0x140, s18;
	[sflag:s28] =	ssyncadd.s32 $0xFFFFE000  }
0x6d: {  	[tilespmem:s17], [sflag:$0x2] =	stream.indirect.gather [spmem:s2], $0x80, s20, s15, $0xb8;
	[tilespmem:$0x1AC00] =	vst v63  }
0x6e: {  	_ =	swait.ge [sflag:s22], $0x2000  }
0x6f: {  	[sflag:s22] =	ssyncset.done $0x0  }
0x70: {  	s20 =	sadd.s32 $0x400, s0;
	[sflag:s22] =	ssyncadd.s32 $0xFFFFE000  }
0x71: {  	[hbm4b:s20+s3] =	stream.linear.scatter [tilespmem:s16], [sflag:$0x5], $0x2000, $0x38;
	[tilespmem:$0x1AC00] =	vst v63  }
0x72: {  	_ =	swait.ge [sflag:s29], $0x2000  }
0x73: {  	[sflag:s29] =	ssyncset.done $0x0  }
0x74: {  	s20 =	sadd.s32 $0x180, s18;
	[sflag:s29] =	ssyncadd.s32 $0xFFFFE000  }
0x75: {  	[tilespmem:s19], [sflag:$0x3] =	stream.indirect.gather [spmem:s2], $0x80, s20, s15, $0xb8;
	[tilespmem:$0x1AC00] =	vst v63  }
0x76: {  	_ =	swait.ge [sflag:s23], $0x2000  }
0x77: {  	[sflag:s23] =	ssyncset.done $0x0  }
0x78: {  	s20 =	sadd.s32 $0x800, s0;
	[sflag:s23] =	ssyncadd.s32 $0xFFFFE000  }
0x79: {  	[hbm4b:s20+s3] =	stream.linear.scatter [tilespmem:s17], [sflag:$0x6], $0x2000, $0x38;
	[tilespmem:$0x1AC00] =	vst v63  }
0x7a: {  	_ =	swait.ge [sflag:s30], $0x2000  }
0x7b: {  	[sflag:s30] =	ssyncset.done $0x0  }
.Ltmp1:
0x7c: {  	s18 =	sadd.s32 $0x1C0, s18;
	[sflag:s30] =	ssyncadd.s32 $0xFFFFE000;
	(pc) =	sbr.rel @p1 .LBB2_4-.Ltmp1, $4  }
0x7d: {  	[tilespmem:s21], [sflag:$0x4] =	stream.indirect.gather [spmem:s2], $0x80, s18, s15, $0xb8;
	[tilespmem:$0x1AC00] =	vst v63  }
0x7e: {  	_ =	swait.ge [sflag:s24], $0x2000  }
0x7f: {  	[sflag:s24] =	ssyncset.done $0x0  }
0x80: {  	s18 =	sadd.s32 $0xC00, s0;
	s0 =	sadd.s32 $0x1000, s0;
	[sflag:s24] =	ssyncadd.s32 $0xFFFFE000  }
0x81: {  	[hbm4b:s18+s3] =	stream.linear.scatter [tilespmem:s19], [sflag:$0x7], $0x2000, $0x38;
	[tilespmem:$0x1AC00] =	vst v63  }
0x82: {  	_ =	swait.ge [sflag:s26], $0x2000  }
0x83: {  	[sflag:s26] =	ssyncset.done $0x0  }
0x84: {  	[sflag:s26] =	ssyncadd.s32 $0xFFFFE000  }
0x85: {  	[hbm4b:s9+s3] =	stream.linear.scatter [tilespmem:s21], [sflag:$0x8], $0x2000, $0x38;
	[tilespmem:$0x1AC00] =	vst v63  }
0x86: {  	_ =	swait.ge [sflag:s25], $0x2000  }
0x87: {  	[sflag:s25] =	ssyncset.done $0x0  }
0x88: {  	[sflag:s25] =	ssyncadd.s32 $0xFFFFE000  }
0x89: {  	_ =	swait.ge [sflag:s28], $0x2000  }
0x8a: {  	[sflag:s28] =	ssyncset.done $0x0  }
0x8b: {  	s31 =	sadd.s32 $0x1, s31;
	[sflag:s28] =	ssyncadd.s32 $0xFFFFE000  }
0x8c: {  	p1 =	sne.s32 s31, s10;
	_ =	swait.ge [sflag:s29], $0x2000  }
.Ltmp2:
0x8d: {  	[sflag:s29] =	ssyncset.done $0x0;
	(pc) =	sbr.rel @p1 .LBB2_1-.Ltmp2, $4  }
0x8e: {  	[sflag:s29] =	ssyncadd.s32 $0xFFFFE000  }
0x8f: {  	_ =	swait.ge [sflag:s30], $0x2000  }
0x90: {  	[sflag:s30] =	ssyncset.done $0x0  }
0x91: {  	[sflag:s30] =	ssyncadd.s32 $0xFFFFE000  }
0x92: {  	_ =	sfence.sel $0x180000  }
0x93: {  	[bflag:$0x0] =	sbarrier.arrive $0xFFFF  }
0x94: {  	_ =	strace $0x90000047  }
0x95: {  	s0 =	stileid.u32;
	[bflag:$0x2] =	sbarrier.arrive $0xFFFF  }
0x96: {  	p0 =	sne.s32 s0, $0x0;
	s0 =	rddreg [dreg:$0x3]  }
0x97: {  	s0 =	sadd.s32 @!p0 $0x100000, s0  }
0x98: {  	[sflag:s0] =	ssyncadd.tile.s32 @!p0 $0x1;
	_ =	shalt  }
.Lfunc_end2:
_tile_overlayer_lowered:
.L_overlay_start_2:
0x99: {  	(tag) =	ssettag $0x2  }
0x9a: {  	s0 =	rddreg [dreg:$0x0];
	s2 =	stileid.u32  }
0x9b: {  	s1 =	rddreg [dreg:$0x1];
	p0 =	sne.s32 s2, $0x0  }
0x9c: {  	s3 =	rddreg [dreg:$0x2];
	[bflag:$0x3] =	sbarrier.arrive $0xFFFF;
	s2 =	simm.s32 @!p0 $0x1C0A  }
0x9d: {  	[timem:s3], [sflag:s2] =	dma.local @!p0 [hbm:s0], s1  }
0x9e: {  	s0 =	simm.s32 @!p0 $0xA  }
0x9f: {  	_ =	swait.ge @!p0 [sflag:s0], s1  }
0xa0: {  	s1 =	ssub.s32 @!p0 $0x0, s1;
	[sflag:s0] =	ssyncset.done @!p0 $0x0  }
0xa1: {  	[sflag:s0] =	ssyncadd.s32 @!p0 s1  }
0xa2: {  	[bflag:$0x3] =	sbarrier.arrive $0xFFFF  }
0xa3: {  	_ =	shalt  }

</sc_bundles>
